<compile_context>
chip_gen: v7x
topology: tpu7x:2x2x1
jax: 0.10.2.dev20260603
libtpu: 0.0.44.dev20260713+nightly
codegen_flags: <defaults>
</compile_context>

<pallas_src>
import functools

import jax
import jax.numpy as jnp
from jax import lax
from jax.experimental import pallas as pl
from jax.experimental.pallas import tpu as pltpu
from jax.experimental.pallas import tpu_sc as plsc

N = 10000
N_PAD = 10240
E = 320000
F = 128
H = 64
G = 64
NC, NS = 2, 16
NW = NC * NS
CHUNK = 128
CPT = 80
NBUF = 2
E_PAD = NW * CPT * CHUNK
RPS = N_PAD // NS
DEG_W = 16
GDT = jnp.float32

_MESH = dict(core_axis_name="c", subcore_axis_name="s", num_cores=NC,
             num_subcores=NS)



def _sc_deg_body(dst_hbm, zeros_hbm, ones_hbm, out_hbm, dst_v, ones_v, deg_sh):
    c = lax.axis_index("c")
    s = lax.axis_index("s")
    wid = s * NC + c
    base = s * RPS
    pltpu.sync_copy(zeros_hbm.at[pl.ds(base, RPS)],
                    deg_sh.at[pl.ds(base, RPS)])
    pltpu.sync_copy(ones_hbm, ones_v)
    pltpu.sync_copy(dst_hbm.at[wid], dst_v)
    plsc.subcore_barrier()

    def body(j, carry):
        pltpu.sync_copy(ones_v, deg_sh.at[dst_v.at[j]], add=True)
        return carry

    lax.fori_loop(0, CPT, body, 0)
    plsc.subcore_barrier()
    pltpu.sync_copy(deg_sh.at[pl.ds(base, RPS)],
                    out_hbm.at[c, pl.ds(base, RPS)])


def _sc_edge_body(g_hbm, src_hbm, dst_hbm, zeros_hbm, out_hbm,
                  src_v, dst_v, rows_v, sem, agg_sh):
    c = lax.axis_index("c")
    s = lax.axis_index("s")
    wid = s * NC + c
    base = s * RPS
    pltpu.sync_copy(zeros_hbm.at[pl.ds(base, RPS)],
                    agg_sh.at[pl.ds(base, RPS)])
    pltpu.sync_copy(src_hbm.at[wid], src_v)
    pltpu.sync_copy(dst_hbm.at[wid], dst_v)
    plsc.subcore_barrier()

    def chunk_body(j, carry):
        pltpu.async_copy(g_hbm.at[src_v.at[j]], rows_v, sem).wait()
        pltpu.sync_copy(rows_v, agg_sh.at[dst_v.at[j]], add=True)
        return carry

    lax.fori_loop(0, CPT, chunk_body, 0)
    plsc.subcore_barrier()
    pltpu.sync_copy(agg_sh.at[pl.ds(base, RPS)],
                    out_hbm.at[c, pl.ds(base, RPS)])


_SC_PARAMS = pltpu.CompilerParams(use_tc_tiling_on_sc=False)


def _sc_deg(dstz, zeros16, ones16):
    return pl.kernel(
        _sc_deg_body,
        out_type=jax.ShapeDtypeStruct((NC, N_PAD, DEG_W), jnp.float32),
        mesh=plsc.VectorSubcoreMesh(**_MESH),
        compiler_params=_SC_PARAMS,
        scratch_types=[
            pltpu.VMEM((CPT, CHUNK), jnp.int32),
            pltpu.VMEM((CHUNK, DEG_W), jnp.float32),
            pltpu.VMEM_SHARED((N_PAD, DEG_W), jnp.float32),
        ],
    )(dstz, zeros16, ones16)


def _sc_edge(g, srcz, dstz, zeros64):
    dt = g.dtype
    return pl.kernel(
        _sc_edge_body,
        out_type=jax.ShapeDtypeStruct((NC, N_PAD, H), dt),
        mesh=plsc.VectorSubcoreMesh(**_MESH),
        compiler_params=_SC_PARAMS,
        scratch_types=[
            pltpu.VMEM((CPT, CHUNK), jnp.int32),
            pltpu.VMEM((CPT, CHUNK), jnp.int32),
            pltpu.VMEM((CHUNK, H), dt),
            pltpu.SemaphoreType.DMA,
            pltpu.VMEM_SHARED((N_PAD, H), dt),
        ],
    )(g, srcz, dstz, zeros64)



BLK = 1024
GRID = N_PAD // BLK


def _deg_dis(dp_ref):
    deg = 1.0 + dp_ref[0, :, 0:1] + dp_ref[1, :, 0:1]
    return deg, lax.rsqrt(deg)


def _tc_first_body(x_ref, w_ref, b_ref, dp_ref, g_ref, s_ref):
    deg, dis = _deg_dis(dp_ref)
    h = jnp.dot(x_ref[...], w_ref[...], preferred_element_type=jnp.float32)
    g_ref[...] = (h * dis).astype(g_ref.dtype)
    s_ref[...] = h / deg + b_ref[...]


def _agg_sum(a_ref):
    return (a_ref[0].astype(jnp.float32) + a_ref[1].astype(jnp.float32))


def _tc_mid_body(a_ref, s_ref, w_ref, b_ref, dp_ref, g_ref, so_ref):
    deg, dis = _deg_dis(dp_ref)
    xl = jnp.maximum(dis * _agg_sum(a_ref) + s_ref[...], 0.0)
    h = jnp.dot(xl, w_ref[...], preferred_element_type=jnp.float32)
    g_ref[...] = (h * dis).astype(g_ref.dtype)
    so_ref[...] = h / deg + b_ref[...]


def _tc_fin_body(a_ref, s_ref, dp_ref, b3_ref, wl_ref, bl_ref, out_ref,
                 sums, cnt):
    i = pl.program_id(0)
    deg, dis = _deg_dis(dp_ref)
    x4 = jnp.maximum(dis * _agg_sum(a_ref) + s_ref[...], 0.0)
    b = b3_ref[0]
    segs = lax.broadcasted_iota(jnp.int32, (G, 1), 0)
    mt = (b == segs).astype(jnp.float32)

    @pl.when(i == 0)
    def _():
        sums[...] = jnp.zeros((G, H), jnp.float32)
        cnt[...] = jnp.zeros((G, H), jnp.float32)

    dot = functools.partial(lax.dot_general,
                            dimension_numbers=(((1,), (0,)), ((), ())),
                            preferred_element_type=jnp.float32)
    sums[...] += dot(mt, x4)
    cnt[...] += dot(mt, jnp.ones((BLK, H), jnp.float32))

    @pl.when(i == pl.num_programs(0) - 1)
    def _():
        pooled = sums[...] / jnp.maximum(cnt[...], 1.0)
        out_ref[...] = jnp.dot(pooled, wl_ref[...],
                               preferred_element_type=jnp.float32) + bl_ref[...]


def _row_spec(width):
    return pl.BlockSpec((BLK, width), lambda i: (i, 0))


def _full_spec(shape):
    nd = len(shape)
    return pl.BlockSpec(shape, lambda i: (0,) * nd)


_PART_SPEC = pl.BlockSpec((NC, BLK, H), lambda i: (0, i, 0))
_DP_SPEC = pl.BlockSpec((2, BLK, DEG_W), lambda i: (0, i, 0))


def _tc_first(x, w1, b1, dp):
    return pl.pallas_call(
        _tc_first_body,
        grid=(GRID,),
        in_specs=[_row_spec(F), _full_spec((F, H)), _full_spec((1, H)),
                  _DP_SPEC],
        out_specs=[_row_spec(H), _row_spec(H)],
        out_shape=[jax.ShapeDtypeStruct((N_PAD, H), GDT),
                   jax.ShapeDtypeStruct((N_PAD, H), jnp.float32)],
    )(x, w1, b1, dp)


def _tc_mid(a, s, w, b, dp):
    return pl.pallas_call(
        _tc_mid_body,
        grid=(GRID,),
        in_specs=[_PART_SPEC, _row_spec(H), _full_spec((H, H)),
                  _full_spec((1, H)), _DP_SPEC],
        out_specs=[_row_spec(H), _row_spec(H)],
        out_shape=[jax.ShapeDtypeStruct((N_PAD, H), GDT),
                   jax.ShapeDtypeStruct((N_PAD, H), jnp.float32)],
    )(a, s, w, b, dp)


def _tc_fin(a, s, dp, batch3, wl, bl):
    return pl.pallas_call(
        _tc_fin_body,
        grid=(GRID,),
        in_specs=[_PART_SPEC, _row_spec(H), _DP_SPEC,
                  pl.BlockSpec((1, 1, BLK), lambda i: (i, 0, 0)),
                  _full_spec((H, 1)), _full_spec((1, 1))],
        out_specs=pl.BlockSpec((G, 1), lambda i: (0, 0)),
        out_shape=jax.ShapeDtypeStruct((G, 1), jnp.float32),
        scratch_shapes=[pltpu.VMEM((G, H), jnp.float32),
                        pltpu.VMEM((G, H), jnp.float32)],
    )(a, s, dp, batch3, wl, bl)



def kernel(x, edge_index, batch, W1, b1, W2, b2, W3, b3, Wl, bl):
    f32 = jnp.float32
    x_pad = jnp.pad(x, ((0, N_PAD - N), (0, 0)))
    pad_e = E_PAD - E
    src = jnp.concatenate(
        [edge_index[0], jnp.full((pad_e,), N, jnp.int32)]).reshape(
            NW, CPT, CHUNK)
    dst = jnp.concatenate(
        [edge_index[1], jnp.full((pad_e,), N, jnp.int32)]).reshape(
            NW, CPT, CHUNK)
    batch3 = jnp.concatenate(
        [batch, jnp.full((N_PAD - N,), -1, jnp.int32)]).reshape(GRID, 1, BLK)
    zeros64 = jnp.zeros((N_PAD, H), GDT)
    zeros16 = jnp.zeros((N_PAD, DEG_W), f32)
    ones16 = jnp.ones((CHUNK, DEG_W), f32)

    dp = _sc_deg(dst, zeros16, ones16)
    g1, s1 = _tc_first(x_pad, W1, b1.reshape(1, H), dp)
    a1 = _sc_edge(g1, src, dst, zeros64)
    g2, s2 = _tc_mid(a1, s1, W2, b2.reshape(1, H), dp)
    a2 = _sc_edge(g2, src, dst, zeros64)
    g3, s3 = _tc_mid(a2, s2, W3, b3.reshape(1, H), dp)
    a3 = _sc_edge(g3, src, dst, zeros64)
    return _tc_fin(a3, s3, dp, batch3, Wl, bl.reshape(1, 1))

# --- scband reference (transcript-rebuilt; emitter-appended) ---
"""Pipeline reference for scband-gcnmodel-84628035600885 (READ-ONLY COPY).

The authoritative reference and input builder live on the scoring server;
editing this copy changes nothing except your own understanding.
"""

import jax, jax.numpy as jnp
import numpy as np

NUM_GRAPHS = 64


def gcn_conv(x, edge_index, W, b):
    n = x.shape[0]
    loop = jnp.arange(n, dtype=edge_index.dtype)
    src = jnp.concatenate([edge_index[0], loop])
    dst = jnp.concatenate([edge_index[1], loop])
    deg = jnp.zeros((n,), x.dtype).at[dst].add(1.0)
    dis = jnp.where(deg > 0, deg ** -0.5, 0.0)
    norm = dis[src] * dis[dst]
    h = x @ W
    msg = h[src] * norm[:, None]
    out = jnp.zeros((n, h.shape[1]), x.dtype).at[dst].add(msg)
    return out + b


def setup_inputs(seed: int = 0) -> dict:
    key = jax.random.key(seed)
    ks = jax.random.split(key, 12)
    n, e, f, hdim = 10000, 320000, 128, 64
    x = jax.random.normal(ks[0], (n, f), jnp.float32)
    edge_index = jax.random.randint(ks[1], (2, e), 0, n, jnp.int32)
    batch = jnp.sort(jax.random.randint(ks[2], (n,), 0, NUM_GRAPHS, jnp.int32))
    W1 = jax.random.normal(ks[3], (f, hdim), jnp.float32) * 0.05
    b1 = jnp.zeros((hdim,), jnp.float32)
    W2 = jax.random.normal(ks[4], (hdim, hdim), jnp.float32) * 0.05
    b2 = jnp.zeros((hdim,), jnp.float32)
    W3 = jax.random.normal(ks[5], (hdim, hdim), jnp.float32) * 0.05
    b3 = jnp.zeros((hdim,), jnp.float32)
    Wl = jax.random.normal(ks[6], (hdim, 1), jnp.float32) * 0.05
    bl = jnp.zeros((1,), jnp.float32)
    return {"x": x, "edge_index": edge_index, "batch": batch,
            "W1": W1, "b1": b1, "W2": W2, "b2": b2, "W3": W3, "b3": b3,
            "Wl": Wl, "bl": bl}


def reference(x, edge_index, batch, W1, b1, W2, b2, W3, b3, Wl, bl):
    h = jax.nn.relu(gcn_conv(x, edge_index, W1, b1))
    # dropout p=0.2 is identity in eval mode
    h = jax.nn.relu(gcn_conv(h, edge_index, W2, b2))
    h = jax.nn.relu(gcn_conv(h, edge_index, W3, b3))
    sums = jax.ops.segment_sum(h, batch, num_segments=NUM_GRAPHS)
    cnt = jax.ops.segment_sum(jnp.ones((h.shape[0], 1), h.dtype), batch, num_segments=NUM_GRAPHS)
    pooled = sums / jnp.maximum(cnt, 1.0)
    return pooled @ Wl + bl

if __name__ == "__main__":
    import jax
    _d = setup_inputs()
    print(jax.jit(kernel)(*tuple(_d.values())))

</pallas_src>

<mosaic_0001>
#map = affine_map<(d0, d1) -> (0, 0, 0)>
#map1 = affine_map<(d0, d1) -> (0, 0)>
module attributes {stable_mosaic.version = 14 : i64} {
  func.func @_sc_deg_body(%arg0: i32, %arg1: i32, %arg2: memref<32x80x128xi32, #tpu.memory_space<hbm>>, %arg3: memref<10240x16xf32, #tpu.memory_space<hbm>>, %arg4: memref<128x16xf32, #tpu.memory_space<hbm>>, %arg5: memref<2x10240x16xf32, #tpu.memory_space<hbm>>, %arg6: memref<80x128xi32, #tpu.memory_space<vmem>>, %arg7: memref<128x16xf32, #tpu.memory_space<vmem>>, %arg8: memref<10240x16xf32, #tpu.memory_space<vmem_shared>>) attributes {dimension_semantics = [#tpu.dimension_semantics<core_parallel>, #tpu.dimension_semantics<subcore_parallel>], iteration_bounds = array<i64: 2, 16>, scalar_prefetch = 0 : i64, scratch_operands = 3 : i64, tpu.core_type = #tpu.core_type<sc_vector_subcore>, window_params = [{transform_indices = #map}, {transform_indices = #map1}, {transform_indices = #map1}, {transform_indices = #map}]} {
    %mul3A = arith.constant 2 : i32
    %mul3A_0 = arith.muli %arg1, %mul3A : i32
    %add3A = arith.addi %mul3A_0, %arg0 : i32
    %mul3A_1 = arith.constant 640 : i32
    %mul3A_2 = arith.muli %arg1, %mul3A_1 : i32
    "tpu.region"() ({
      %run_scoped3A = tpu.sem_alloc : memref<!tpu.dma_semaphore, #tpu.memory_space<semaphore_mem>>
      %dma_start3A = arith.constant 0 : i32
      %dma_start3A_9 = tpu.memref_slice %arg8[%mul3A_2, %dma_start3A] : memref<10240x16xf32, #tpu.memory_space<vmem_shared>> -> memref<640x16xf32, #tpu.memory_space<vmem_shared>>
      %dma_start3A_10 = arith.constant 0 : i32
      %dma_start3A_11 = tpu.memref_slice %arg3[%mul3A_2, %dma_start3A_10] : memref<10240x16xf32, #tpu.memory_space<hbm>> -> memref<640x16xf32, #tpu.memory_space<hbm>>
      tpu.enqueue_dma source(%dma_start3A_11 : memref<640x16xf32, #tpu.memory_space<hbm>>) target(%dma_start3A_9 : memref<640x16xf32, #tpu.memory_space<vmem_shared>>) target_semaphore(%run_scoped3A : memref<!tpu.dma_semaphore, #tpu.memory_space<semaphore_mem>>)
      %dma_wait3A = arith.constant 0 : i32
      %dma_wait3A_12 = tpu.memref_slice %arg8[%mul3A_2, %dma_wait3A] : memref<10240x16xf32, #tpu.memory_space<vmem_shared>> -> memref<640x16xf32, #tpu.memory_space<vmem_shared>>
      %dma_wait3A_13 = arith.constant 0 : i32
      %dma_wait3A_14 = tpu.memref_slice %arg3[%mul3A_2, %dma_wait3A_13] : memref<10240x16xf32, #tpu.memory_space<hbm>> -> memref<640x16xf32, #tpu.memory_space<hbm>>
      tpu.wait_dma2 semaphore(%run_scoped3A : memref<!tpu.dma_semaphore, #tpu.memory_space<semaphore_mem>>) src(%dma_wait3A_14 : memref<640x16xf32, #tpu.memory_space<hbm>>) dst(%dma_wait3A_12 : memref<640x16xf32, #tpu.memory_space<vmem_shared>>)
      tpu.yield
    }) : () -> ()
    "tpu.region"() ({
      %run_scoped3A = tpu.sem_alloc : memref<!tpu.dma_semaphore, #tpu.memory_space<semaphore_mem>>
      tpu.enqueue_dma source(%arg4 : memref<128x16xf32, #tpu.memory_space<hbm>>) target(%arg7 : memref<128x16xf32, #tpu.memory_space<vmem>>) target_semaphore(%run_scoped3A : memref<!tpu.dma_semaphore, #tpu.memory_space<semaphore_mem>>)
      tpu.wait_dma2 semaphore(%run_scoped3A : memref<!tpu.dma_semaphore, #tpu.memory_space<semaphore_mem>>) src(%arg4 : memref<128x16xf32, #tpu.memory_space<hbm>>) dst(%arg7 : memref<128x16xf32, #tpu.memory_space<vmem>>)
      tpu.yield
    }) : () -> ()
    "tpu.region"() ({
      %run_scoped3A = tpu.sem_alloc : memref<!tpu.dma_semaphore, #tpu.memory_space<semaphore_mem>>
      %dma_start3A = arith.constant 0 : i32
      %dma_start3A_9 = arith.constant 0 : i32
      %dma_start3A_10 = tpu.memref_slice %arg2[%add3A, %dma_start3A, %dma_start3A_9] : memref<32x80x128xi32, #tpu.memory_space<hbm>> -> memref<1x80x128xi32, #tpu.memory_space<hbm>>
      %dma_start3A_11 = tpu.memref_squeeze %dma_start3A_10 : memref<1x80x128xi32, #tpu.memory_space<hbm>> -> memref<80x128xi32, #tpu.memory_space<hbm>>
      %dma_start3A_12 = arith.constant 0 : i32
      %dma_start3A_13 = arith.constant 0 : i32
      %dma_start3A_14 = tpu.memref_slice %arg2[%add3A, %dma_start3A_12, %dma_start3A_13] : memref<32x80x128xi32, #tpu.memory_space<hbm>> -> memref<1x80x128xi32, #tpu.memory_space<hbm>>
      %dma_start3A_15 = tpu.memref_squeeze %dma_start3A_14 : memref<1x80x128xi32, #tpu.memory_space<hbm>> -> memref<80x128xi32, #tpu.memory_space<hbm>>
      tpu.enqueue_dma source(%dma_start3A_15 : memref<80x128xi32, #tpu.memory_space<hbm>>) target(%arg6 : memref<80x128xi32, #tpu.memory_space<vmem>>) target_semaphore(%run_scoped3A : memref<!tpu.dma_semaphore, #tpu.memory_space<semaphore_mem>>)
      %dma_wait3A = arith.constant 0 : i32
      %dma_wait3A_16 = arith.constant 0 : i32
      %dma_wait3A_17 = tpu.memref_slice %arg2[%add3A, %dma_wait3A, %dma_wait3A_16] : memref<32x80x128xi32, #tpu.memory_space<hbm>> -> memref<1x80x128xi32, #tpu.memory_space<hbm>>
      %dma_wait3A_18 = tpu.memref_squeeze %dma_wait3A_17 : memref<1x80x128xi32, #tpu.memory_space<hbm>> -> memref<80x128xi32, #tpu.memory_space<hbm>>
      %dma_wait3A_19 = arith.constant 0 : i32
      %dma_wait3A_20 = arith.constant 0 : i32
      %dma_wait3A_21 = tpu.memref_slice %arg2[%add3A, %dma_wait3A_19, %dma_wait3A_20] : memref<32x80x128xi32, #tpu.memory_space<hbm>> -> memref<1x80x128xi32, #tpu.memory_space<hbm>>
      %dma_wait3A_22 = tpu.memref_squeeze %dma_wait3A_21 : memref<1x80x128xi32, #tpu.memory_space<hbm>> -> memref<80x128xi32, #tpu.memory_space<hbm>>
      tpu.wait_dma2 semaphore(%run_scoped3A : memref<!tpu.dma_semaphore, #tpu.memory_space<semaphore_mem>>) src(%dma_wait3A_22 : memref<80x128xi32, #tpu.memory_space<hbm>>) dst(%arg6 : memref<80x128xi32, #tpu.memory_space<vmem>>)
      tpu.yield
    }) : () -> ()
    %barrier3A = arith.constant 0 : index
    tpu.barrier barrier_id(%barrier3A)
    %scan3A = arith.constant 0 : i32
    %scan3A_3 = arith.constant 0 : i32
    %scan3A_4 = arith.constant 80 : i32
    %scan3A_5 = arith.addi %scan3A_3, %scan3A_4 : i32
    %scan3A_6 = arith.constant 1 : i32
    scf.for %scan3A_9 = %scan3A_3 to %scan3A_5 step %scan3A_6  : i32 {
      "tpu.region"() ({
        %run_scoped3A = tpu.sem_alloc : memref<!tpu.dma_semaphore, #tpu.memory_space<semaphore_mem>>
        %dma_start3A = arith.constant 0 : i32
        %dma_start3A_10 = tpu.memref_slice %arg6[%scan3A_9, %dma_start3A] : memref<80x128xi32, #tpu.memory_space<vmem>> -> memref<1x128xi32, #tpu.memory_space<vmem>>
        %dma_start3A_11 = tpu.memref_squeeze %dma_start3A_10 : memref<1x128xi32, #tpu.memory_space<vmem>> -> memref<128xi32, #tpu.memory_space<vmem>>
        %dma_start3A_12 = arith.constant 0 : i32
        %dma_start3A_13 = arith.constant 0 : i32
        %dma_start3A_14 = tpu.memref_slice %arg8[%dma_start3A_12, %dma_start3A_13] : memref<10240x16xf32, #tpu.memory_space<vmem_shared>> -> memref<10240x16xf32, #tpu.memory_space<vmem_shared>>
        tpu.enqueue_indirect_dma source(%arg7 : memref<128x16xf32, #tpu.memory_space<vmem>>) target(%dma_start3A_14 : memref<10240x16xf32, #tpu.memory_space<vmem_shared>>) offsets(%dma_start3A_11 : memref<128xi32, #tpu.memory_space<vmem>>) semaphore(%run_scoped3A : memref<!tpu.dma_semaphore, #tpu.memory_space<semaphore_mem>>) {add = true}
        %dma_wait3A = arith.constant 0 : i32
        %dma_wait3A_15 = tpu.memref_slice %arg6[%scan3A_9, %dma_wait3A] : memref<80x128xi32, #tpu.memory_space<vmem>> -> memref<1x128xi32, #tpu.memory_space<vmem>>
        %dma_wait3A_16 = tpu.memref_squeeze %dma_wait3A_15 : memref<1x128xi32, #tpu.memory_space<vmem>> -> memref<128xi32, #tpu.memory_space<vmem>>
        %dma_wait3A_17 = arith.constant 0 : i32
        %dma_wait3A_18 = arith.constant 0 : i32
        %dma_wait3A_19 = tpu.memref_slice %arg8[%dma_wait3A_17, %dma_wait3A_18] : memref<10240x16xf32, #tpu.memory_space<vmem_shared>> -> memref<10240x16xf32, #tpu.memory_space<vmem_shared>>
        tpu.wait_indirect_dma semaphore(%run_scoped3A : memref<!tpu.dma_semaphore, #tpu.memory_space<semaphore_mem>>) src(%arg7 : memref<128x16xf32, #tpu.memory_space<vmem>>) dst(%dma_wait3A_19 : memref<10240x16xf32, #tpu.memory_space<vmem_shared>>)
        tpu.yield
      }) : () -> ()
    }
    %scan3A_7 = arith.constant 80 : i32
    %barrier3A_8 = arith.constant 0 : index
    tpu.barrier barrier_id(%barrier3A_8)
    "tpu.region"() ({
      %run_scoped3A = tpu.sem_alloc : memref<!tpu.dma_semaphore, #tpu.memory_space<semaphore_mem>>
      %dma_start3A = arith.constant 0 : i32
      %dma_start3A_9 = tpu.memref_slice %arg5[%arg0, %mul3A_2, %dma_start3A] : memref<2x10240x16xf32, #tpu.memory_space<hbm>> -> memref<1x640x16xf32, #tpu.memory_space<hbm>>
      %dma_start3A_10 = tpu.memref_squeeze %dma_start3A_9 : memref<1x640x16xf32, #tpu.memory_space<hbm>> -> memref<640x16xf32, #tpu.memory_space<hbm>>
      %dma_start3A_11 = arith.constant 0 : i32
      %dma_start3A_12 = tpu.memref_slice %arg8[%mul3A_2, %dma_start3A_11] : memref<10240x16xf32, #tpu.memory_space<vmem_shared>> -> memref<640x16xf32, #tpu.memory_space<vmem_shared>>
      tpu.enqueue_dma source(%dma_start3A_12 : memref<640x16xf32, #tpu.memory_space<vmem_shared>>) target(%dma_start3A_10 : memref<640x16xf32, #tpu.memory_space<hbm>>) target_semaphore(%run_scoped3A : memref<!tpu.dma_semaphore, #tpu.memory_space<semaphore_mem>>)
      %dma_wait3A = arith.constant 0 : i32
      %dma_wait3A_13 = tpu.memref_slice %arg5[%arg0, %mul3A_2, %dma_wait3A] : memref<2x10240x16xf32, #tpu.memory_space<hbm>> -> memref<1x640x16xf32, #tpu.memory_space<hbm>>
      %dma_wait3A_14 = tpu.memref_squeeze %dma_wait3A_13 : memref<1x640x16xf32, #tpu.memory_space<hbm>> -> memref<640x16xf32, #tpu.memory_space<hbm>>
      %dma_wait3A_15 = arith.constant 0 : i32
      %dma_wait3A_16 = tpu.memref_slice %arg8[%mul3A_2, %dma_wait3A_15] : memref<10240x16xf32, #tpu.memory_space<vmem_shared>> -> memref<640x16xf32, #tpu.memory_space<vmem_shared>>
      tpu.wait_dma2 semaphore(%run_scoped3A : memref<!tpu.dma_semaphore, #tpu.memory_space<semaphore_mem>>) src(%dma_wait3A_16 : memref<640x16xf32, #tpu.memory_space<vmem_shared>>) dst(%dma_wait3A_14 : memref<640x16xf32, #tpu.memory_space<hbm>>)
      tpu.yield
    }) : () -> ()
    return
  }
}

#map = affine_map<(d0, d1) -> (0, 0)>
#map1 = affine_map<(d0, d1) -> (0, 0, 0)>
module attributes {stable_mosaic.version = 14 : i64} {
  func.func @_sc_edge_body(%arg0: i32, %arg1: i32, %arg2: memref<10240x64xf32, #tpu.memory_space<hbm>>, %arg3: memref<32x80x128xi32, #tpu.memory_space<hbm>>, %arg4: memref<32x80x128xi32, #tpu.memory_space<hbm>>, %arg5: memref<10240x64xf32, #tpu.memory_space<hbm>>, %arg6: memref<2x10240x64xf32, #tpu.memory_space<hbm>>, %arg7: memref<80x128xi32, #tpu.memory_space<vmem>>, %arg8: memref<80x128xi32, #tpu.memory_space<vmem>>, %arg9: memref<128x64xf32, #tpu.memory_space<vmem>>, %arg10: memref<!tpu.dma_semaphore, #tpu.memory_space<semaphore_mem>>, %arg11: memref<10240x64xf32, #tpu.memory_space<vmem_shared>>) attributes {dimension_semantics = [#tpu.dimension_semantics<core_parallel>, #tpu.dimension_semantics<subcore_parallel>], iteration_bounds = array<i64: 2, 16>, scalar_prefetch = 0 : i64, scratch_operands = 5 : i64, tpu.core_type = #tpu.core_type<sc_vector_subcore>, window_params = [{transform_indices = #map}, {transform_indices = #map1}, {transform_indices = #map1}, {transform_indices = #map}, {transform_indices = #map1}]} {
    %mul3A = arith.constant 2 : i32
    %mul3A_0 = arith.muli %arg1, %mul3A : i32
    %add3A = arith.addi %mul3A_0, %arg0 : i32
    %mul3A_1 = arith.constant 640 : i32
    %mul3A_2 = arith.muli %arg1, %mul3A_1 : i32
    "tpu.region"() ({
      %run_scoped3A = tpu.sem_alloc : memref<!tpu.dma_semaphore, #tpu.memory_space<semaphore_mem>>
      %dma_start3A = arith.constant 0 : i32
      %dma_start3A_9 = tpu.memref_slice %arg11[%mul3A_2, %dma_start3A] : memref<10240x64xf32, #tpu.memory_space<vmem_shared>> -> memref<640x64xf32, #tpu.memory_space<vmem_shared>>
      %dma_start3A_10 = arith.constant 0 : i32
      %dma_start3A_11 = tpu.memref_slice %arg5[%mul3A_2, %dma_start3A_10] : memref<10240x64xf32, #tpu.memory_space<hbm>> -> memref<640x64xf32, #tpu.memory_space<hbm>>
      tpu.enqueue_dma source(%dma_start3A_11 : memref<640x64xf32, #tpu.memory_space<hbm>>) target(%dma_start3A_9 : memref<640x64xf32, #tpu.memory_space<vmem_shared>>) target_semaphore(%run_scoped3A : memref<!tpu.dma_semaphore, #tpu.memory_space<semaphore_mem>>)
      %dma_wait3A = arith.constant 0 : i32
      %dma_wait3A_12 = tpu.memref_slice %arg11[%mul3A_2, %dma_wait3A] : memref<10240x64xf32, #tpu.memory_space<vmem_shared>> -> memref<640x64xf32, #tpu.memory_space<vmem_shared>>
      %dma_wait3A_13 = arith.constant 0 : i32
      %dma_wait3A_14 = tpu.memref_slice %arg5[%mul3A_2, %dma_wait3A_13] : memref<10240x64xf32, #tpu.memory_space<hbm>> -> memref<640x64xf32, #tpu.memory_space<hbm>>
      tpu.wait_dma2 semaphore(%run_scoped3A : memref<!tpu.dma_semaphore, #tpu.memory_space<semaphore_mem>>) src(%dma_wait3A_14 : memref<640x64xf32, #tpu.memory_space<hbm>>) dst(%dma_wait3A_12 : memref<640x64xf32, #tpu.memory_space<vmem_shared>>)
      tpu.yield
    }) : () -> ()
    "tpu.region"() ({
      %run_scoped3A = tpu.sem_alloc : memref<!tpu.dma_semaphore, #tpu.memory_space<semaphore_mem>>
      %dma_start3A = arith.constant 0 : i32
      %dma_start3A_9 = arith.constant 0 : i32
      %dma_start3A_10 = tpu.memref_slice %arg3[%add3A, %dma_start3A, %dma_start3A_9] : memref<32x80x128xi32, #tpu.memory_space<hbm>> -> memref<1x80x128xi32, #tpu.memory_space<hbm>>
      %dma_start3A_11 = tpu.memref_squeeze %dma_start3A_10 : memref<1x80x128xi32, #tpu.memory_space<hbm>> -> memref<80x128xi32, #tpu.memory_space<hbm>>
      %dma_start3A_12 = arith.constant 0 : i32
      %dma_start3A_13 = arith.constant 0 : i32
      %dma_start3A_14 = tpu.memref_slice %arg3[%add3A, %dma_start3A_12, %dma_start3A_13] : memref<32x80x128xi32, #tpu.memory_space<hbm>> -> memref<1x80x128xi32, #tpu.memory_space<hbm>>
      %dma_start3A_15 = tpu.memref_squeeze %dma_start3A_14 : memref<1x80x128xi32, #tpu.memory_space<hbm>> -> memref<80x128xi32, #tpu.memory_space<hbm>>
      tpu.enqueue_dma source(%dma_start3A_15 : memref<80x128xi32, #tpu.memory_space<hbm>>) target(%arg7 : memref<80x128xi32, #tpu.memory_space<vmem>>) target_semaphore(%run_scoped3A : memref<!tpu.dma_semaphore, #tpu.memory_space<semaphore_mem>>)
      %dma_wait3A = arith.constant 0 : i32
      %dma_wait3A_16 = arith.constant 0 : i32
      %dma_wait3A_17 = tpu.memref_slice %arg3[%add3A, %dma_wait3A, %dma_wait3A_16] : memref<32x80x128xi32, #tpu.memory_space<hbm>> -> memref<1x80x128xi32, #tpu.memory_space<hbm>>
      %dma_wait3A_18 = tpu.memref_squeeze %dma_wait3A_17 : memref<1x80x128xi32, #tpu.memory_space<hbm>> -> memref<80x128xi32, #tpu.memory_space<hbm>>
      %dma_wait3A_19 = arith.constant 0 : i32
      %dma_wait3A_20 = arith.constant 0 : i32
      %dma_wait3A_21 = tpu.memref_slice %arg3[%add3A, %dma_wait3A_19, %dma_wait3A_20] : memref<32x80x128xi32, #tpu.memory_space<hbm>> -> memref<1x80x128xi32, #tpu.memory_space<hbm>>
      %dma_wait3A_22 = tpu.memref_squeeze %dma_wait3A_21 : memref<1x80x128xi32, #tpu.memory_space<hbm>> -> memref<80x128xi32, #tpu.memory_space<hbm>>
      tpu.wait_dma2 semaphore(%run_scoped3A : memref<!tpu.dma_semaphore, #tpu.memory_space<semaphore_mem>>) src(%dma_wait3A_22 : memref<80x128xi32, #tpu.memory_space<hbm>>) dst(%arg7 : memref<80x128xi32, #tpu.memory_space<vmem>>)
      tpu.yield
    }) : () -> ()
    "tpu.region"() ({
      %run_scoped3A = tpu.sem_alloc : memref<!tpu.dma_semaphore, #tpu.memory_space<semaphore_mem>>
      %dma_start3A = arith.constant 0 : i32
      %dma_start3A_9 = arith.constant 0 : i32
      %dma_start3A_10 = tpu.memref_slice %arg4[%add3A, %dma_start3A, %dma_start3A_9] : memref<32x80x128xi32, #tpu.memory_space<hbm>> -> memref<1x80x128xi32, #tpu.memory_space<hbm>>
      %dma_start3A_11 = tpu.memref_squeeze %dma_start3A_10 : memref<1x80x128xi32, #tpu.memory_space<hbm>> -> memref<80x128xi32, #tpu.memory_space<hbm>>
      %dma_start3A_12 = arith.constant 0 : i32
      %dma_start3A_13 = arith.constant 0 : i32
      %dma_start3A_14 = tpu.memref_slice %arg4[%add3A, %dma_start3A_12, %dma_start3A_13] : memref<32x80x128xi32, #tpu.memory_space<hbm>> -> memref<1x80x128xi32, #tpu.memory_space<hbm>>
      %dma_start3A_15 = tpu.memref_squeeze %dma_start3A_14 : memref<1x80x128xi32, #tpu.memory_space<hbm>> -> memref<80x128xi32, #tpu.memory_space<hbm>>
      tpu.enqueue_dma source(%dma_start3A_15 : memref<80x128xi32, #tpu.memory_space<hbm>>) target(%arg8 : memref<80x128xi32, #tpu.memory_space<vmem>>) target_semaphore(%run_scoped3A : memref<!tpu.dma_semaphore, #tpu.memory_space<semaphore_mem>>)
      %dma_wait3A = arith.constant 0 : i32
      %dma_wait3A_16 = arith.constant 0 : i32
      %dma_wait3A_17 = tpu.memref_slice %arg4[%add3A, %dma_wait3A, %dma_wait3A_16] : memref<32x80x128xi32, #tpu.memory_space<hbm>> -> memref<1x80x128xi32, #tpu.memory_space<hbm>>
      %dma_wait3A_18 = tpu.memref_squeeze %dma_wait3A_17 : memref<1x80x128xi32, #tpu.memory_space<hbm>> -> memref<80x128xi32, #tpu.memory_space<hbm>>
      %dma_wait3A_19 = arith.constant 0 : i32
      %dma_wait3A_20 = arith.constant 0 : i32
      %dma_wait3A_21 = tpu.memref_slice %arg4[%add3A, %dma_wait3A_19, %dma_wait3A_20] : memref<32x80x128xi32, #tpu.memory_space<hbm>> -> memref<1x80x128xi32, #tpu.memory_space<hbm>>
      %dma_wait3A_22 = tpu.memref_squeeze %dma_wait3A_21 : memref<1x80x128xi32, #tpu.memory_space<hbm>> -> memref<80x128xi32, #tpu.memory_space<hbm>>
      tpu.wait_dma2 semaphore(%run_scoped3A : memref<!tpu.dma_semaphore, #tpu.memory_space<semaphore_mem>>) src(%dma_wait3A_22 : memref<80x128xi32, #tpu.memory_space<hbm>>) dst(%arg8 : memref<80x128xi32, #tpu.memory_space<vmem>>)
      tpu.yield
    }) : () -> ()
    %barrier3A = arith.constant 0 : index
    tpu.barrier barrier_id(%barrier3A)
    %scan3A = arith.constant 0 : i32
    %scan3A_3 = arith.constant 0 : i32
    %scan3A_4 = arith.constant 80 : i32
    %scan3A_5 = arith.addi %scan3A_3, %scan3A_4 : i32
    %scan3A_6 = arith.constant 1 : i32
    scf.for %scan3A_9 = %scan3A_3 to %scan3A_5 step %scan3A_6  : i32 {
      %dma_start3A = arith.constant 0 : i32
      %dma_start3A_10 = tpu.memref_slice %arg7[%scan3A_9, %dma_start3A] : memref<80x128xi32, #tpu.memory_space<vmem>> -> memref<1x128xi32, #tpu.memory_space<vmem>>
      %dma_start3A_11 = tpu.memref_squeeze %dma_start3A_10 : memref<1x128xi32, #tpu.memory_space<vmem>> -> memref<128xi32, #tpu.memory_space<vmem>>
      %dma_start3A_12 = arith.constant 0 : i32
      %dma_start3A_13 = arith.constant 0 : i32
      %dma_start3A_14 = tpu.memref_slice %arg2[%dma_start3A_12, %dma_start3A_13] : memref<10240x64xf32, #tpu.memory_space<hbm>> -> memref<10240x64xf32, #tpu.memory_space<hbm>>
      tpu.enqueue_indirect_dma source(%dma_start3A_14 : memref<10240x64xf32, #tpu.memory_space<hbm>>) target(%arg9 : memref<128x64xf32, #tpu.memory_space<vmem>>) offsets(%dma_start3A_11 : memref<128xi32, #tpu.memory_space<vmem>>) semaphore(%arg10 : memref<!tpu.dma_semaphore, #tpu.memory_space<semaphore_mem>>)
      %dma_wait3A = arith.constant 0 : i32
      %dma_wait3A_15 = tpu.memref_slice %arg7[%scan3A_9, %dma_wait3A] : memref<80x128xi32, #tpu.memory_space<vmem>> -> memref<1x128xi32, #tpu.memory_space<vmem>>
      %dma_wait3A_16 = tpu.memref_squeeze %dma_wait3A_15 : memref<1x128xi32, #tpu.memory_space<vmem>> -> memref<128xi32, #tpu.memory_space<vmem>>
      %dma_wait3A_17 = arith.constant 0 : i32
      %dma_wait3A_18 = arith.constant 0 : i32
      %dma_wait3A_19 = tpu.memref_slice %arg2[%dma_wait3A_17, %dma_wait3A_18] : memref<10240x64xf32, #tpu.memory_space<hbm>> -> memref<10240x64xf32, #tpu.memory_space<hbm>>
      tpu.wait_indirect_dma semaphore(%arg10 : memref<!tpu.dma_semaphore, #tpu.memory_space<semaphore_mem>>) src(%dma_wait3A_19 : memref<10240x64xf32, #tpu.memory_space<hbm>>) dst(%arg9 : memref<128x64xf32, #tpu.memory_space<vmem>>)
      "tpu.region"() ({
        %run_scoped3A = tpu.sem_alloc : memref<!tpu.dma_semaphore, #tpu.memory_space<semaphore_mem>>
        %dma_start3A_20 = arith.constant 0 : i32
        %dma_start3A_21 = tpu.memref_slice %arg8[%scan3A_9, %dma_start3A_20] : memref<80x128xi32, #tpu.memory_space<vmem>> -> memref<1x128xi32, #tpu.memory_space<vmem>>
        %dma_start3A_22 = tpu.memref_squeeze %dma_start3A_21 : memref<1x128xi32, #tpu.memory_space<vmem>> -> memref<128xi32, #tpu.memory_space<vmem>>
        %dma_start3A_23 = arith.constant 0 : i32
        %dma_start3A_24 = arith.constant 0 : i32
        %dma_start3A_25 = tpu.memref_slice %arg11[%dma_start3A_23, %dma_start3A_24] : memref<10240x64xf32, #tpu.memory_space<vmem_shared>> -> memref<10240x64xf32, #tpu.memory_space<vmem_shared>>
        tpu.enqueue_indirect_dma source(%arg9 : memref<128x64xf32, #tpu.memory_space<vmem>>) target(%dma_start3A_25 : memref<10240x64xf32, #tpu.memory_space<vmem_shared>>) offsets(%dma_start3A_22 : memref<128xi32, #tpu.memory_space<vmem>>) semaphore(%run_scoped3A : memref<!tpu.dma_semaphore, #tpu.memory_space<semaphore_mem>>) {add = true}
        %dma_wait3A_26 = arith.constant 0 : i32
        %dma_wait3A_27 = tpu.memref_slice %arg8[%scan3A_9, %dma_wait3A_26] : memref<80x128xi32, #tpu.memory_space<vmem>> -> memref<1x128xi32, #tpu.memory_space<vmem>>
        %dma_wait3A_28 = tpu.memref_squeeze %dma_wait3A_27 : memref<1x128xi32, #tpu.memory_space<vmem>> -> memref<128xi32, #tpu.memory_space<vmem>>
        %dma_wait3A_29 = arith.constant 0 : i32
        %dma_wait3A_30 = arith.constant 0 : i32
        %dma_wait3A_31 = tpu.memref_slice %arg11[%dma_wait3A_29, %dma_wait3A_30] : memref<10240x64xf32, #tpu.memory_space<vmem_shared>> -> memref<10240x64xf32, #tpu.memory_space<vmem_shared>>
        tpu.wait_indirect_dma semaphore(%run_scoped3A : memref<!tpu.dma_semaphore, #tpu.memory_space<semaphore_mem>>) src(%arg9 : memref<128x64xf32, #tpu.memory_space<vmem>>) dst(%dma_wait3A_31 : memref<10240x64xf32, #tpu.memory_space<vmem_shared>>)
        tpu.yield
      }) : () -> ()
    }
    %scan3A_7 = arith.constant 80 : i32
    %barrier3A_8 = arith.constant 0 : index
    tpu.barrier barrier_id(%barrier3A_8)
    "tpu.region"() ({
      %run_scoped3A = tpu.sem_alloc : memref<!tpu.dma_semaphore, #tpu.memory_space<semaphore_mem>>
      %dma_start3A = arith.constant 0 : i32
      %dma_start3A_9 = tpu.memref_slice %arg6[%arg0, %mul3A_2, %dma_start3A] : memref<2x10240x64xf32, #tpu.memory_space<hbm>> -> memref<1x640x64xf32, #tpu.memory_space<hbm>>
      %dma_start3A_10 = tpu.memref_squeeze %dma_start3A_9 : memref<1x640x64xf32, #tpu.memory_space<hbm>> -> memref<640x64xf32, #tpu.memory_space<hbm>>
      %dma_start3A_11 = arith.constant 0 : i32
      %dma_start3A_12 = tpu.memref_slice %arg11[%mul3A_2, %dma_start3A_11] : memref<10240x64xf32, #tpu.memory_space<vmem_shared>> -> memref<640x64xf32, #tpu.memory_space<vmem_shared>>
      tpu.enqueue_dma source(%dma_start3A_12 : memref<640x64xf32, #tpu.memory_space<vmem_shared>>) target(%dma_start3A_10 : memref<640x64xf32, #tpu.memory_space<hbm>>) target_semaphore(%run_scoped3A : memref<!tpu.dma_semaphore, #tpu.memory_space<semaphore_mem>>)
      %dma_wait3A = arith.constant 0 : i32
      %dma_wait3A_13 = tpu.memref_slice %arg6[%arg0, %mul3A_2, %dma_wait3A] : memref<2x10240x64xf32, #tpu.memory_space<hbm>> -> memref<1x640x64xf32, #tpu.memory_space<hbm>>
      %dma_wait3A_14 = tpu.memref_squeeze %dma_wait3A_13 : memref<1x640x64xf32, #tpu.memory_space<hbm>> -> memref<640x64xf32, #tpu.memory_space<hbm>>
      %dma_wait3A_15 = arith.constant 0 : i32
      %dma_wait3A_16 = tpu.memref_slice %arg11[%mul3A_2, %dma_wait3A_15] : memref<10240x64xf32, #tpu.memory_space<vmem_shared>> -> memref<640x64xf32, #tpu.memory_space<vmem_shared>>
      tpu.wait_dma2 semaphore(%run_scoped3A : memref<!tpu.dma_semaphore, #tpu.memory_space<semaphore_mem>>) src(%dma_wait3A_16 : memref<640x64xf32, #tpu.memory_space<vmem_shared>>) dst(%dma_wait3A_14 : memref<640x64xf32, #tpu.memory_space<hbm>>)
      tpu.yield
    }) : () -> ()
    return
  }
}

#map = affine_map<(d0, d1) -> (0, 0)>
#map1 = affine_map<(d0, d1) -> (0, 0, 0)>
module attributes {stable_mosaic.version = 14 : i64} {
  func.func @_sc_edge_body(%arg0: i32, %arg1: i32, %arg2: memref<10240x64xf32, #tpu.memory_space<hbm>>, %arg3: memref<32x80x128xi32, #tpu.memory_space<hbm>>, %arg4: memref<32x80x128xi32, #tpu.memory_space<hbm>>, %arg5: memref<10240x64xf32, #tpu.memory_space<hbm>>, %arg6: memref<2x10240x64xf32, #tpu.memory_space<hbm>>, %arg7: memref<80x128xi32, #tpu.memory_space<vmem>>, %arg8: memref<80x128xi32, #tpu.memory_space<vmem>>, %arg9: memref<128x64xf32, #tpu.memory_space<vmem>>, %arg10: memref<!tpu.dma_semaphore, #tpu.memory_space<semaphore_mem>>, %arg11: memref<10240x64xf32, #tpu.memory_space<vmem_shared>>) attributes {dimension_semantics = [#tpu.dimension_semantics<core_parallel>, #tpu.dimension_semantics<subcore_parallel>], iteration_bounds = array<i64: 2, 16>, scalar_prefetch = 0 : i64, scratch_operands = 5 : i64, tpu.core_type = #tpu.core_type<sc_vector_subcore>, window_params = [{transform_indices = #map}, {transform_indices = #map1}, {transform_indices = #map1}, {transform_indices = #map}, {transform_indices = #map1}]} {
    %mul3A = arith.constant 2 : i32
    %mul3A_0 = arith.muli %arg1, %mul3A : i32
    %add3A = arith.addi %mul3A_0, %arg0 : i32
    %mul3A_1 = arith.constant 640 : i32
    %mul3A_2 = arith.muli %arg1, %mul3A_1 : i32
    "tpu.region"() ({
      %run_scoped3A = tpu.sem_alloc : memref<!tpu.dma_semaphore, #tpu.memory_space<semaphore_mem>>
      %dma_start3A = arith.constant 0 : i32
      %dma_start3A_9 = tpu.memref_slice %arg11[%mul3A_2, %dma_start3A] : memref<10240x64xf32, #tpu.memory_space<vmem_shared>> -> memref<640x64xf32, #tpu.memory_space<vmem_shared>>
      %dma_start3A_10 = arith.constant 0 : i32
      %dma_start3A_11 = tpu.memref_slice %arg5[%mul3A_2, %dma_start3A_10] : memref<10240x64xf32, #tpu.memory_space<hbm>> -> memref<640x64xf32, #tpu.memory_space<hbm>>
      tpu.enqueue_dma source(%dma_start3A_11 : memref<640x64xf32, #tpu.memory_space<hbm>>) target(%dma_start3A_9 : memref<640x64xf32, #tpu.memory_space<vmem_shared>>) target_semaphore(%run_scoped3A : memref<!tpu.dma_semaphore, #tpu.memory_space<semaphore_mem>>)
      %dma_wait3A = arith.constant 0 : i32
      %dma_wait3A_12 = tpu.memref_slice %arg11[%mul3A_2, %dma_wait3A] : memref<10240x64xf32, #tpu.memory_space<vmem_shared>> -> memref<640x64xf32, #tpu.memory_space<vmem_shared>>
      %dma_wait3A_13 = arith.constant 0 : i32
      %dma_wait3A_14 = tpu.memref_slice %arg5[%mul3A_2, %dma_wait3A_13] : memref<10240x64xf32, #tpu.memory_space<hbm>> -> memref<640x64xf32, #tpu.memory_space<hbm>>
      tpu.wait_dma2 semaphore(%run_scoped3A : memref<!tpu.dma_semaphore, #tpu.memory_space<semaphore_mem>>) src(%dma_wait3A_14 : memref<640x64xf32, #tpu.memory_space<hbm>>) dst(%dma_wait3A_12 : memref<640x64xf32, #tpu.memory_space<vmem_shared>>)
      tpu.yield
    }) : () -> ()
    "tpu.region"() ({
      %run_scoped3A = tpu.sem_alloc : memref<!tpu.dma_semaphore, #tpu.memory_space<semaphore_mem>>
      %dma_start3A = arith.constant 0 : i32
      %dma_start3A_9 = arith.constant 0 : i32
      %dma_start3A_10 = tpu.memref_slice %arg3[%add3A, %dma_start3A, %dma_start3A_9] : memref<32x80x128xi32, #tpu.memory_space<hbm>> -> memref<1x80x128xi32, #tpu.memory_space<hbm>>
      %dma_start3A_11 = tpu.memref_squeeze %dma_start3A_10 : memref<1x80x128xi32, #tpu.memory_space<hbm>> -> memref<80x128xi32, #tpu.memory_space<hbm>>
      %dma_start3A_12 = arith.constant 0 : i32
      %dma_start3A_13 = arith.constant 0 : i32
      %dma_start3A_14 = tpu.memref_slice %arg3[%add3A, %dma_start3A_12, %dma_start3A_13] : memref<32x80x128xi32, #tpu.memory_space<hbm>> -> memref<1x80x128xi32, #tpu.memory_space<hbm>>
      %dma_start3A_15 = tpu.memref_squeeze %dma_start3A_14 : memref<1x80x128xi32, #tpu.memory_space<hbm>> -> memref<80x128xi32, #tpu.memory_space<hbm>>
      tpu.enqueue_dma source(%dma_start3A_15 : memref<80x128xi32, #tpu.memory_space<hbm>>) target(%arg7 : memref<80x128xi32, #tpu.memory_space<vmem>>) target_semaphore(%run_scoped3A : memref<!tpu.dma_semaphore, #tpu.memory_space<semaphore_mem>>)
      %dma_wait3A = arith.constant 0 : i32
      %dma_wait3A_16 = arith.constant 0 : i32
      %dma_wait3A_17 = tpu.memref_slice %arg3[%add3A, %dma_wait3A, %dma_wait3A_16] : memref<32x80x128xi32, #tpu.memory_space<hbm>> -> memref<1x80x128xi32, #tpu.memory_space<hbm>>
      %dma_wait3A_18 = tpu.memref_squeeze %dma_wait3A_17 : memref<1x80x128xi32, #tpu.memory_space<hbm>> -> memref<80x128xi32, #tpu.memory_space<hbm>>
      %dma_wait3A_19 = arith.constant 0 : i32
      %dma_wait3A_20 = arith.constant 0 : i32
      %dma_wait3A_21 = tpu.memref_slice %arg3[%add3A, %dma_wait3A_19, %dma_wait3A_20] : memref<32x80x128xi32, #tpu.memory_space<hbm>> -> memref<1x80x128xi32, #tpu.memory_space<hbm>>
      %dma_wait3A_22 = tpu.memref_squeeze %dma_wait3A_21 : memref<1x80x128xi32, #tpu.memory_space<hbm>> -> memref<80x128xi32, #tpu.memory_space<hbm>>
      tpu.wait_dma2 semaphore(%run_scoped3A : memref<!tpu.dma_semaphore, #tpu.memory_space<semaphore_mem>>) src(%dma_wait3A_22 : memref<80x128xi32, #tpu.memory_space<hbm>>) dst(%arg7 : memref<80x128xi32, #tpu.memory_space<vmem>>)
      tpu.yield
    }) : () -> ()
    "tpu.region"() ({
      %run_scoped3A = tpu.sem_alloc : memref<!tpu.dma_semaphore, #tpu.memory_space<semaphore_mem>>
      %dma_start3A = arith.constant 0 : i32
      %dma_start3A_9 = arith.constant 0 : i32
      %dma_start3A_10 = tpu.memref_slice %arg4[%add3A, %dma_start3A, %dma_start3A_9] : memref<32x80x128xi32, #tpu.memory_space<hbm>> -> memref<1x80x128xi32, #tpu.memory_space<hbm>>
      %dma_start3A_11 = tpu.memref_squeeze %dma_start3A_10 : memref<1x80x128xi32, #tpu.memory_space<hbm>> -> memref<80x128xi32, #tpu.memory_space<hbm>>
      %dma_start3A_12 = arith.constant 0 : i32
      %dma_start3A_13 = arith.constant 0 : i32
      %dma_start3A_14 = tpu.memref_slice %arg4[%add3A, %dma_start3A_12, %dma_start3A_13] : memref<32x80x128xi32, #tpu.memory_space<hbm>> -> memref<1x80x128xi32, #tpu.memory_space<hbm>>
      %dma_start3A_15 = tpu.memref_squeeze %dma_start3A_14 : memref<1x80x128xi32, #tpu.memory_space<hbm>> -> memref<80x128xi32, #tpu.memory_space<hbm>>
      tpu.enqueue_dma source(%dma_start3A_15 : memref<80x128xi32, #tpu.memory_space<hbm>>) target(%arg8 : memref<80x128xi32, #tpu.memory_space<vmem>>) target_semaphore(%run_scoped3A : memref<!tpu.dma_semaphore, #tpu.memory_space<semaphore_mem>>)
      %dma_wait3A = arith.constant 0 : i32
      %dma_wait3A_16 = arith.constant 0 : i32
      %dma_wait3A_17 = tpu.memref_slice %arg4[%add3A, %dma_wait3A, %dma_wait3A_16] : memref<32x80x128xi32, #tpu.memory_space<hbm>> -> memref<1x80x128xi32, #tpu.memory_space<hbm>>
      %dma_wait3A_18 = tpu.memref_squeeze %dma_wait3A_17 : memref<1x80x128xi32, #tpu.memory_space<hbm>> -> memref<80x128xi32, #tpu.memory_space<hbm>>
      %dma_wait3A_19 = arith.constant 0 : i32
      %dma_wait3A_20 = arith.constant 0 : i32
      %dma_wait3A_21 = tpu.memref_slice %arg4[%add3A, %dma_wait3A_19, %dma_wait3A_20] : memref<32x80x128xi32, #tpu.memory_space<hbm>> -> memref<1x80x128xi32, #tpu.memory_space<hbm>>
      %dma_wait3A_22 = tpu.memref_squeeze %dma_wait3A_21 : memref<1x80x128xi32, #tpu.memory_space<hbm>> -> memref<80x128xi32, #tpu.memory_space<hbm>>
      tpu.wait_dma2 semaphore(%run_scoped3A : memref<!tpu.dma_semaphore, #tpu.memory_space<semaphore_mem>>) src(%dma_wait3A_22 : memref<80x128xi32, #tpu.memory_space<hbm>>) dst(%arg8 : memref<80x128xi32, #tpu.memory_space<vmem>>)
      tpu.yield
    }) : () -> ()
    %barrier3A = arith.constant 0 : index
    tpu.barrier barrier_id(%barrier3A)
    %scan3A = arith.constant 0 : i32
    %scan3A_3 = arith.constant 0 : i32
    %scan3A_4 = arith.constant 80 : i32
    %scan3A_5 = arith.addi %scan3A_3, %scan3A_4 : i32
    %scan3A_6 = arith.constant 1 : i32
    scf.for %scan3A_9 = %scan3A_3 to %scan3A_5 step %scan3A_6  : i32 {
      %dma_start3A = arith.constant 0 : i32
      %dma_start3A_10 = tpu.memref_slice %arg7[%scan3A_9, %dma_start3A] : memref<80x128xi32, #tpu.memory_space<vmem>> -> memref<1x128xi32, #tpu.memory_space<vmem>>
      %dma_start3A_11 = tpu.memref_squeeze %dma_start3A_10 : memref<1x128xi32, #tpu.memory_space<vmem>> -> memref<128xi32, #tpu.memory_space<vmem>>
      %dma_start3A_12 = arith.constant 0 : i32
      %dma_start3A_13 = arith.constant 0 : i32
      %dma_start3A_14 = tpu.memref_slice %arg2[%dma_start3A_12, %dma_start3A_13] : memref<10240x64xf32, #tpu.memory_space<hbm>> -> memref<10240x64xf32, #tpu.memory_space<hbm>>
      tpu.enqueue_indirect_dma source(%dma_start3A_14 : memref<10240x64xf32, #tpu.memory_space<hbm>>) target(%arg9 : memref<128x64xf32, #tpu.memory_space<vmem>>) offsets(%dma_start3A_11 : memref<128xi32, #tpu.memory_space<vmem>>) semaphore(%arg10 : memref<!tpu.dma_semaphore, #tpu.memory_space<semaphore_mem>>)
      %dma_wait3A = arith.constant 0 : i32
      %dma_wait3A_15 = tpu.memref_slice %arg7[%scan3A_9, %dma_wait3A] : memref<80x128xi32, #tpu.memory_space<vmem>> -> memref<1x128xi32, #tpu.memory_space<vmem>>
      %dma_wait3A_16 = tpu.memref_squeeze %dma_wait3A_15 : memref<1x128xi32, #tpu.memory_space<vmem>> -> memref<128xi32, #tpu.memory_space<vmem>>
      %dma_wait3A_17 = arith.constant 0 : i32
      %dma_wait3A_18 = arith.constant 0 : i32
      %dma_wait3A_19 = tpu.memref_slice %arg2[%dma_wait3A_17, %dma_wait3A_18] : memref<10240x64xf32, #tpu.memory_space<hbm>> -> memref<10240x64xf32, #tpu.memory_space<hbm>>
      tpu.wait_indirect_dma semaphore(%arg10 : memref<!tpu.dma_semaphore, #tpu.memory_space<semaphore_mem>>) src(%dma_wait3A_19 : memref<10240x64xf32, #tpu.memory_space<hbm>>) dst(%arg9 : memref<128x64xf32, #tpu.memory_space<vmem>>)
      "tpu.region"() ({
        %run_scoped3A = tpu.sem_alloc : memref<!tpu.dma_semaphore, #tpu.memory_space<semaphore_mem>>
        %dma_start3A_20 = arith.constant 0 : i32
        %dma_start3A_21 = tpu.memref_slice %arg8[%scan3A_9, %dma_start3A_20] : memref<80x128xi32, #tpu.memory_space<vmem>> -> memref<1x128xi32, #tpu.memory_space<vmem>>
        %dma_start3A_22 = tpu.memref_squeeze %dma_start3A_21 : memref<1x128xi32, #tpu.memory_space<vmem>> -> memref<128xi32, #tpu.memory_space<vmem>>
        %dma_start3A_23 = arith.constant 0 : i32
        %dma_start3A_24 = arith.constant 0 : i32
        %dma_start3A_25 = tpu.memref_slice %arg11[%dma_start3A_23, %dma_start3A_24] : memref<10240x64xf32, #tpu.memory_space<vmem_shared>> -> memref<10240x64xf32, #tpu.memory_space<vmem_shared>>
        tpu.enqueue_indirect_dma source(%arg9 : memref<128x64xf32, #tpu.memory_space<vmem>>) target(%dma_start3A_25 : memref<10240x64xf32, #tpu.memory_space<vmem_shared>>) offsets(%dma_start3A_22 : memref<128xi32, #tpu.memory_space<vmem>>) semaphore(%run_scoped3A : memref<!tpu.dma_semaphore, #tpu.memory_space<semaphore_mem>>) {add = true}
        %dma_wait3A_26 = arith.constant 0 : i32
        %dma_wait3A_27 = tpu.memref_slice %arg8[%scan3A_9, %dma_wait3A_26] : memref<80x128xi32, #tpu.memory_space<vmem>> -> memref<1x128xi32, #tpu.memory_space<vmem>>
        %dma_wait3A_28 = tpu.memref_squeeze %dma_wait3A_27 : memref<1x128xi32, #tpu.memory_space<vmem>> -> memref<128xi32, #tpu.memory_space<vmem>>
        %dma_wait3A_29 = arith.constant 0 : i32
        %dma_wait3A_30 = arith.constant 0 : i32
        %dma_wait3A_31 = tpu.memref_slice %arg11[%dma_wait3A_29, %dma_wait3A_30] : memref<10240x64xf32, #tpu.memory_space<vmem_shared>> -> memref<10240x64xf32, #tpu.memory_space<vmem_shared>>
        tpu.wait_indirect_dma semaphore(%run_scoped3A : memref<!tpu.dma_semaphore, #tpu.memory_space<semaphore_mem>>) src(%arg9 : memref<128x64xf32, #tpu.memory_space<vmem>>) dst(%dma_wait3A_31 : memref<10240x64xf32, #tpu.memory_space<vmem_shared>>)
        tpu.yield
      }) : () -> ()
    }
    %scan3A_7 = arith.constant 80 : i32
    %barrier3A_8 = arith.constant 0 : index
    tpu.barrier barrier_id(%barrier3A_8)
    "tpu.region"() ({
      %run_scoped3A = tpu.sem_alloc : memref<!tpu.dma_semaphore, #tpu.memory_space<semaphore_mem>>
      %dma_start3A = arith.constant 0 : i32
      %dma_start3A_9 = tpu.memref_slice %arg6[%arg0, %mul3A_2, %dma_start3A] : memref<2x10240x64xf32, #tpu.memory_space<hbm>> -> memref<1x640x64xf32, #tpu.memory_space<hbm>>
      %dma_start3A_10 = tpu.memref_squeeze %dma_start3A_9 : memref<1x640x64xf32, #tpu.memory_space<hbm>> -> memref<640x64xf32, #tpu.memory_space<hbm>>
      %dma_start3A_11 = arith.constant 0 : i32
      %dma_start3A_12 = tpu.memref_slice %arg11[%mul3A_2, %dma_start3A_11] : memref<10240x64xf32, #tpu.memory_space<vmem_shared>> -> memref<640x64xf32, #tpu.memory_space<vmem_shared>>
      tpu.enqueue_dma source(%dma_start3A_12 : memref<640x64xf32, #tpu.memory_space<vmem_shared>>) target(%dma_start3A_10 : memref<640x64xf32, #tpu.memory_space<hbm>>) target_semaphore(%run_scoped3A : memref<!tpu.dma_semaphore, #tpu.memory_space<semaphore_mem>>)
      %dma_wait3A = arith.constant 0 : i32
      %dma_wait3A_13 = tpu.memref_slice %arg6[%arg0, %mul3A_2, %dma_wait3A] : memref<2x10240x64xf32, #tpu.memory_space<hbm>> -> memref<1x640x64xf32, #tpu.memory_space<hbm>>
      %dma_wait3A_14 = tpu.memref_squeeze %dma_wait3A_13 : memref<1x640x64xf32, #tpu.memory_space<hbm>> -> memref<640x64xf32, #tpu.memory_space<hbm>>
      %dma_wait3A_15 = arith.constant 0 : i32
      %dma_wait3A_16 = tpu.memref_slice %arg11[%mul3A_2, %dma_wait3A_15] : memref<10240x64xf32, #tpu.memory_space<vmem_shared>> -> memref<640x64xf32, #tpu.memory_space<vmem_shared>>
      tpu.wait_dma2 semaphore(%run_scoped3A : memref<!tpu.dma_semaphore, #tpu.memory_space<semaphore_mem>>) src(%dma_wait3A_16 : memref<640x64xf32, #tpu.memory_space<vmem_shared>>) dst(%dma_wait3A_14 : memref<640x64xf32, #tpu.memory_space<hbm>>)
      tpu.yield
    }) : () -> ()
    return
  }
}

#map = affine_map<(d0, d1) -> (0, 0)>
#map1 = affine_map<(d0, d1) -> (0, 0, 0)>
module attributes {stable_mosaic.version = 14 : i64} {
  func.func @_sc_edge_body(%arg0: i32, %arg1: i32, %arg2: memref<10240x64xf32, #tpu.memory_space<hbm>>, %arg3: memref<32x80x128xi32, #tpu.memory_space<hbm>>, %arg4: memref<32x80x128xi32, #tpu.memory_space<hbm>>, %arg5: memref<10240x64xf32, #tpu.memory_space<hbm>>, %arg6: memref<2x10240x64xf32, #tpu.memory_space<hbm>>, %arg7: memref<80x128xi32, #tpu.memory_space<vmem>>, %arg8: memref<80x128xi32, #tpu.memory_space<vmem>>, %arg9: memref<128x64xf32, #tpu.memory_space<vmem>>, %arg10: memref<!tpu.dma_semaphore, #tpu.memory_space<semaphore_mem>>, %arg11: memref<10240x64xf32, #tpu.memory_space<vmem_shared>>) attributes {dimension_semantics = [#tpu.dimension_semantics<core_parallel>, #tpu.dimension_semantics<subcore_parallel>], iteration_bounds = array<i64: 2, 16>, scalar_prefetch = 0 : i64, scratch_operands = 5 : i64, tpu.core_type = #tpu.core_type<sc_vector_subcore>, window_params = [{transform_indices = #map}, {transform_indices = #map1}, {transform_indices = #map1}, {transform_indices = #map}, {transform_indices = #map1}]} {
    %mul3A = arith.constant 2 : i32
    %mul3A_0 = arith.muli %arg1, %mul3A : i32
    %add3A = arith.addi %mul3A_0, %arg0 : i32
    %mul3A_1 = arith.constant 640 : i32
    %mul3A_2 = arith.muli %arg1, %mul3A_1 : i32
    "tpu.region"() ({
      %run_scoped3A = tpu.sem_alloc : memref<!tpu.dma_semaphore, #tpu.memory_space<semaphore_mem>>
      %dma_start3A = arith.constant 0 : i32
      %dma_start3A_9 = tpu.memref_slice %arg11[%mul3A_2, %dma_start3A] : memref<10240x64xf32, #tpu.memory_space<vmem_shared>> -> memref<640x64xf32, #tpu.memory_space<vmem_shared>>
      %dma_start3A_10 = arith.constant 0 : i32
      %dma_start3A_11 = tpu.memref_slice %arg5[%mul3A_2, %dma_start3A_10] : memref<10240x64xf32, #tpu.memory_space<hbm>> -> memref<640x64xf32, #tpu.memory_space<hbm>>
      tpu.enqueue_dma source(%dma_start3A_11 : memref<640x64xf32, #tpu.memory_space<hbm>>) target(%dma_start3A_9 : memref<640x64xf32, #tpu.memory_space<vmem_shared>>) target_semaphore(%run_scoped3A : memref<!tpu.dma_semaphore, #tpu.memory_space<semaphore_mem>>)
      %dma_wait3A = arith.constant 0 : i32
      %dma_wait3A_12 = tpu.memref_slice %arg11[%mul3A_2, %dma_wait3A] : memref<10240x64xf32, #tpu.memory_space<vmem_shared>> -> memref<640x64xf32, #tpu.memory_space<vmem_shared>>
      %dma_wait3A_13 = arith.constant 0 : i32
      %dma_wait3A_14 = tpu.memref_slice %arg5[%mul3A_2, %dma_wait3A_13] : memref<10240x64xf32, #tpu.memory_space<hbm>> -> memref<640x64xf32, #tpu.memory_space<hbm>>
      tpu.wait_dma2 semaphore(%run_scoped3A : memref<!tpu.dma_semaphore, #tpu.memory_space<semaphore_mem>>) src(%dma_wait3A_14 : memref<640x64xf32, #tpu.memory_space<hbm>>) dst(%dma_wait3A_12 : memref<640x64xf32, #tpu.memory_space<vmem_shared>>)
      tpu.yield
    }) : () -> ()
    "tpu.region"() ({
      %run_scoped3A = tpu.sem_alloc : memref<!tpu.dma_semaphore, #tpu.memory_space<semaphore_mem>>
      %dma_start3A = arith.constant 0 : i32
      %dma_start3A_9 = arith.constant 0 : i32
      %dma_start3A_10 = tpu.memref_slice %arg3[%add3A, %dma_start3A, %dma_start3A_9] : memref<32x80x128xi32, #tpu.memory_space<hbm>> -> memref<1x80x128xi32, #tpu.memory_space<hbm>>
      %dma_start3A_11 = tpu.memref_squeeze %dma_start3A_10 : memref<1x80x128xi32, #tpu.memory_space<hbm>> -> memref<80x128xi32, #tpu.memory_space<hbm>>
      %dma_start3A_12 = arith.constant 0 : i32
      %dma_start3A_13 = arith.constant 0 : i32
      %dma_start3A_14 = tpu.memref_slice %arg3[%add3A, %dma_start3A_12, %dma_start3A_13] : memref<32x80x128xi32, #tpu.memory_space<hbm>> -> memref<1x80x128xi32, #tpu.memory_space<hbm>>
      %dma_start3A_15 = tpu.memref_squeeze %dma_start3A_14 : memref<1x80x128xi32, #tpu.memory_space<hbm>> -> memref<80x128xi32, #tpu.memory_space<hbm>>
      tpu.enqueue_dma source(%dma_start3A_15 : memref<80x128xi32, #tpu.memory_space<hbm>>) target(%arg7 : memref<80x128xi32, #tpu.memory_space<vmem>>) target_semaphore(%run_scoped3A : memref<!tpu.dma_semaphore, #tpu.memory_space<semaphore_mem>>)
      %dma_wait3A = arith.constant 0 : i32
      %dma_wait3A_16 = arith.constant 0 : i32
      %dma_wait3A_17 = tpu.memref_slice %arg3[%add3A, %dma_wait3A, %dma_wait3A_16] : memref<32x80x128xi32, #tpu.memory_space<hbm>> -> memref<1x80x128xi32, #tpu.memory_space<hbm>>
      %dma_wait3A_18 = tpu.memref_squeeze %dma_wait3A_17 : memref<1x80x128xi32, #tpu.memory_space<hbm>> -> memref<80x128xi32, #tpu.memory_space<hbm>>
      %dma_wait3A_19 = arith.constant 0 : i32
      %dma_wait3A_20 = arith.constant 0 : i32
      %dma_wait3A_21 = tpu.memref_slice %arg3[%add3A, %dma_wait3A_19, %dma_wait3A_20] : memref<32x80x128xi32, #tpu.memory_space<hbm>> -> memref<1x80x128xi32, #tpu.memory_space<hbm>>
      %dma_wait3A_22 = tpu.memref_squeeze %dma_wait3A_21 : memref<1x80x128xi32, #tpu.memory_space<hbm>> -> memref<80x128xi32, #tpu.memory_space<hbm>>
      tpu.wait_dma2 semaphore(%run_scoped3A : memref<!tpu.dma_semaphore, #tpu.memory_space<semaphore_mem>>) src(%dma_wait3A_22 : memref<80x128xi32, #tpu.memory_space<hbm>>) dst(%arg7 : memref<80x128xi32, #tpu.memory_space<vmem>>)
      tpu.yield
    }) : () -> ()
    "tpu.region"() ({
      %run_scoped3A = tpu.sem_alloc : memref<!tpu.dma_semaphore, #tpu.memory_space<semaphore_mem>>
      %dma_start3A = arith.constant 0 : i32
      %dma_start3A_9 = arith.constant 0 : i32
      %dma_start3A_10 = tpu.memref_slice %arg4[%add3A, %dma_start3A, %dma_start3A_9] : memref<32x80x128xi32, #tpu.memory_space<hbm>> -> memref<1x80x128xi32, #tpu.memory_space<hbm>>
      %dma_start3A_11 = tpu.memref_squeeze %dma_start3A_10 : memref<1x80x128xi32, #tpu.memory_space<hbm>> -> memref<80x128xi32, #tpu.memory_space<hbm>>
      %dma_start3A_12 = arith.constant 0 : i32
      %dma_start3A_13 = arith.constant 0 : i32
      %dma_start3A_14 = tpu.memref_slice %arg4[%add3A, %dma_start3A_12, %dma_start3A_13] : memref<32x80x128xi32, #tpu.memory_space<hbm>> -> memref<1x80x128xi32, #tpu.memory_space<hbm>>
      %dma_start3A_15 = tpu.memref_squeeze %dma_start3A_14 : memref<1x80x128xi32, #tpu.memory_space<hbm>> -> memref<80x128xi32, #tpu.memory_space<hbm>>
      tpu.enqueue_dma source(%dma_start3A_15 : memref<80x128xi32, #tpu.memory_space<hbm>>) target(%arg8 : memref<80x128xi32, #tpu.memory_space<vmem>>) target_semaphore(%run_scoped3A : memref<!tpu.dma_semaphore, #tpu.memory_space<semaphore_mem>>)
      %dma_wait3A = arith.constant 0 : i32
      %dma_wait3A_16 = arith.constant 0 : i32
      %dma_wait3A_17 = tpu.memref_slice %arg4[%add3A, %dma_wait3A, %dma_wait3A_16] : memref<32x80x128xi32, #tpu.memory_space<hbm>> -> memref<1x80x128xi32, #tpu.memory_space<hbm>>
      %dma_wait3A_18 = tpu.memref_squeeze %dma_wait3A_17 : memref<1x80x128xi32, #tpu.memory_space<hbm>> -> memref<80x128xi32, #tpu.memory_space<hbm>>
      %dma_wait3A_19 = arith.constant 0 : i32
      %dma_wait3A_20 = arith.constant 0 : i32
      %dma_wait3A_21 = tpu.memref_slice %arg4[%add3A, %dma_wait3A_19, %dma_wait3A_20] : memref<32x80x128xi32, #tpu.memory_space<hbm>> -> memref<1x80x128xi32, #tpu.memory_space<hbm>>
      %dma_wait3A_22 = tpu.memref_squeeze %dma_wait3A_21 : memref<1x80x128xi32, #tpu.memory_space<hbm>> -> memref<80x128xi32, #tpu.memory_space<hbm>>
      tpu.wait_dma2 semaphore(%run_scoped3A : memref<!tpu.dma_semaphore, #tpu.memory_space<semaphore_mem>>) src(%dma_wait3A_22 : memref<80x128xi32, #tpu.memory_space<hbm>>) dst(%arg8 : memref<80x128xi32, #tpu.memory_space<vmem>>)
      tpu.yield
    }) : () -> ()
    %barrier3A = arith.constant 0 : index
    tpu.barrier barrier_id(%barrier3A)
    %scan3A = arith.constant 0 : i32
    %scan3A_3 = arith.constant 0 : i32
    %scan3A_4 = arith.constant 80 : i32
    %scan3A_5 = arith.addi %scan3A_3, %scan3A_4 : i32
    %scan3A_6 = arith.constant 1 : i32
    scf.for %scan3A_9 = %scan3A_3 to %scan3A_5 step %scan3A_6  : i32 {
      %dma_start3A = arith.constant 0 : i32
      %dma_start3A_10 = tpu.memref_slice %arg7[%scan3A_9, %dma_start3A] : memref<80x128xi32, #tpu.memory_space<vmem>> -> memref<1x128xi32, #tpu.memory_space<vmem>>
      %dma_start3A_11 = tpu.memref_squeeze %dma_start3A_10 : memref<1x128xi32, #tpu.memory_space<vmem>> -> memref<128xi32, #tpu.memory_space<vmem>>
      %dma_start3A_12 = arith.constant 0 : i32
      %dma_start3A_13 = arith.constant 0 : i32
      %dma_start3A_14 = tpu.memref_slice %arg2[%dma_start3A_12, %dma_start3A_13] : memref<10240x64xf32, #tpu.memory_space<hbm>> -> memref<10240x64xf32, #tpu.memory_space<hbm>>
      tpu.enqueue_indirect_dma source(%dma_start3A_14 : memref<10240x64xf32, #tpu.memory_space<hbm>>) target(%arg9 : memref<128x64xf32, #tpu.memory_space<vmem>>) offsets(%dma_start3A_11 : memref<128xi32, #tpu.memory_space<vmem>>) semaphore(%arg10 : memref<!tpu.dma_semaphore, #tpu.memory_space<semaphore_mem>>)
      %dma_wait3A = arith.constant 0 : i32
      %dma_wait3A_15 = tpu.memref_slice %arg7[%scan3A_9, %dma_wait3A] : memref<80x128xi32, #tpu.memory_space<vmem>> -> memref<1x128xi32, #tpu.memory_space<vmem>>
      %dma_wait3A_16 = tpu.memref_squeeze %dma_wait3A_15 : memref<1x128xi32, #tpu.memory_space<vmem>> -> memref<128xi32, #tpu.memory_space<vmem>>
      %dma_wait3A_17 = arith.constant 0 : i32
      %dma_wait3A_18 = arith.constant 0 : i32
      %dma_wait3A_19 = tpu.memref_slice %arg2[%dma_wait3A_17, %dma_wait3A_18] : memref<10240x64xf32, #tpu.memory_space<hbm>> -> memref<10240x64xf32, #tpu.memory_space<hbm>>
      tpu.wait_indirect_dma semaphore(%arg10 : memref<!tpu.dma_semaphore, #tpu.memory_space<semaphore_mem>>) src(%dma_wait3A_19 : memref<10240x64xf32, #tpu.memory_space<hbm>>) dst(%arg9 : memref<128x64xf32, #tpu.memory_space<vmem>>)
      "tpu.region"() ({
        %run_scoped3A = tpu.sem_alloc : memref<!tpu.dma_semaphore, #tpu.memory_space<semaphore_mem>>
        %dma_start3A_20 = arith.constant 0 : i32
        %dma_start3A_21 = tpu.memref_slice %arg8[%scan3A_9, %dma_start3A_20] : memref<80x128xi32, #tpu.memory_space<vmem>> -> memref<1x128xi32, #tpu.memory_space<vmem>>
        %dma_start3A_22 = tpu.memref_squeeze %dma_start3A_21 : memref<1x128xi32, #tpu.memory_space<vmem>> -> memref<128xi32, #tpu.memory_space<vmem>>
        %dma_start3A_23 = arith.constant 0 : i32
        %dma_start3A_24 = arith.constant 0 : i32
        %dma_start3A_25 = tpu.memref_slice %arg11[%dma_start3A_23, %dma_start3A_24] : memref<10240x64xf32, #tpu.memory_space<vmem_shared>> -> memref<10240x64xf32, #tpu.memory_space<vmem_shared>>
        tpu.enqueue_indirect_dma source(%arg9 : memref<128x64xf32, #tpu.memory_space<vmem>>) target(%dma_start3A_25 : memref<10240x64xf32, #tpu.memory_space<vmem_shared>>) offsets(%dma_start3A_22 : memref<128xi32, #tpu.memory_space<vmem>>) semaphore(%run_scoped3A : memref<!tpu.dma_semaphore, #tpu.memory_space<semaphore_mem>>) {add = true}
        %dma_wait3A_26 = arith.constant 0 : i32
        %dma_wait3A_27 = tpu.memref_slice %arg8[%scan3A_9, %dma_wait3A_26] : memref<80x128xi32, #tpu.memory_space<vmem>> -> memref<1x128xi32, #tpu.memory_space<vmem>>
        %dma_wait3A_28 = tpu.memref_squeeze %dma_wait3A_27 : memref<1x128xi32, #tpu.memory_space<vmem>> -> memref<128xi32, #tpu.memory_space<vmem>>
        %dma_wait3A_29 = arith.constant 0 : i32
        %dma_wait3A_30 = arith.constant 0 : i32
        %dma_wait3A_31 = tpu.memref_slice %arg11[%dma_wait3A_29, %dma_wait3A_30] : memref<10240x64xf32, #tpu.memory_space<vmem_shared>> -> memref<10240x64xf32, #tpu.memory_space<vmem_shared>>
        tpu.wait_indirect_dma semaphore(%run_scoped3A : memref<!tpu.dma_semaphore, #tpu.memory_space<semaphore_mem>>) src(%arg9 : memref<128x64xf32, #tpu.memory_space<vmem>>) dst(%dma_wait3A_31 : memref<10240x64xf32, #tpu.memory_space<vmem_shared>>)
        tpu.yield
      }) : () -> ()
    }
    %scan3A_7 = arith.constant 80 : i32
    %barrier3A_8 = arith.constant 0 : index
    tpu.barrier barrier_id(%barrier3A_8)
    "tpu.region"() ({
      %run_scoped3A = tpu.sem_alloc : memref<!tpu.dma_semaphore, #tpu.memory_space<semaphore_mem>>
      %dma_start3A = arith.constant 0 : i32
      %dma_start3A_9 = tpu.memref_slice %arg6[%arg0, %mul3A_2, %dma_start3A] : memref<2x10240x64xf32, #tpu.memory_space<hbm>> -> memref<1x640x64xf32, #tpu.memory_space<hbm>>
      %dma_start3A_10 = tpu.memref_squeeze %dma_start3A_9 : memref<1x640x64xf32, #tpu.memory_space<hbm>> -> memref<640x64xf32, #tpu.memory_space<hbm>>
      %dma_start3A_11 = arith.constant 0 : i32
      %dma_start3A_12 = tpu.memref_slice %arg11[%mul3A_2, %dma_start3A_11] : memref<10240x64xf32, #tpu.memory_space<vmem_shared>> -> memref<640x64xf32, #tpu.memory_space<vmem_shared>>
      tpu.enqueue_dma source(%dma_start3A_12 : memref<640x64xf32, #tpu.memory_space<vmem_shared>>) target(%dma_start3A_10 : memref<640x64xf32, #tpu.memory_space<hbm>>) target_semaphore(%run_scoped3A : memref<!tpu.dma_semaphore, #tpu.memory_space<semaphore_mem>>)
      %dma_wait3A = arith.constant 0 : i32
      %dma_wait3A_13 = tpu.memref_slice %arg6[%arg0, %mul3A_2, %dma_wait3A] : memref<2x10240x64xf32, #tpu.memory_space<hbm>> -> memref<1x640x64xf32, #tpu.memory_space<hbm>>
      %dma_wait3A_14 = tpu.memref_squeeze %dma_wait3A_13 : memref<1x640x64xf32, #tpu.memory_space<hbm>> -> memref<640x64xf32, #tpu.memory_space<hbm>>
      %dma_wait3A_15 = arith.constant 0 : i32
      %dma_wait3A_16 = tpu.memref_slice %arg11[%mul3A_2, %dma_wait3A_15] : memref<10240x64xf32, #tpu.memory_space<vmem_shared>> -> memref<640x64xf32, #tpu.memory_space<vmem_shared>>
      tpu.wait_dma2 semaphore(%run_scoped3A : memref<!tpu.dma_semaphore, #tpu.memory_space<semaphore_mem>>) src(%dma_wait3A_16 : memref<640x64xf32, #tpu.memory_space<vmem_shared>>) dst(%dma_wait3A_14 : memref<640x64xf32, #tpu.memory_space<hbm>>)
      tpu.yield
    }) : () -> ()
    return
  }
}

module attributes {stable_mosaic.version = 14 : i64} {
  func.func @_tc_first_body(%arg0: i32, %arg1: memref<1024x128xf32, #tpu.memory_space<vmem>>, %arg2: memref<128x64xf32, #tpu.memory_space<vmem>>, %arg3: memref<1x64xf32, #tpu.memory_space<vmem>>, %arg4: memref<2x1024x16xf32, #tpu.memory_space<vmem>>, %arg5: memref<1024x64xf32, #tpu.memory_space<vmem>>, %arg6: memref<1024x64xf32, #tpu.memory_space<vmem>>) attributes {dimension_semantics = [#tpu.dimension_semantics<arbitrary>], iteration_bounds = array<i64: 10>, scalar_prefetch = 0 : i64, scratch_operands = 0 : i64, tpu.core_type = #tpu.core_type<tc>, window_params = [{transform_indices = @transform_0, window_bounds = array<i64: 1024, 128>}, {pipeline_mode = #tpu.pipeline_mode<synchronous>, transform_indices = @transform_1, window_bounds = array<i64: 128, 64>}, {pipeline_mode = #tpu.pipeline_mode<synchronous>, transform_indices = @transform_2, window_bounds = array<i64: 1, 64>}, {transform_indices = @transform_3, window_bounds = array<i64: 2, 1024, 16>}, {transform_indices = @transform_4, window_bounds = array<i64: 1024, 64>}, {transform_indices = @transform_5, window_bounds = array<i64: 1024, 64>}]} {
    %get3A = arith.constant 0 : index
    %get3A_0 = arith.constant 0 : index
    %get3A_1 = arith.constant 0 : index
    %get3A_2 = vector.load %arg4[%get3A, %get3A_0, %get3A_1] : memref<2x1024x16xf32, #tpu.memory_space<vmem>>, vector<1x1024x1xf32>
    %get3A_3 = vector.shape_cast %get3A_2 : vector<1x1024x1xf32> to vector<1024x1xf32>
    %add3A = arith.constant 1.000000e+00 : f32
    %add3A_4 = vector.broadcast %add3A : f32 to vector<1024x1xf32>
    %add3A_5 = arith.addf %add3A_4, %get3A_3 : vector<1024x1xf32>
    %get3A_6 = arith.constant 1 : index
    %get3A_7 = arith.constant 0 : index
    %get3A_8 = arith.constant 0 : index
    %get3A_9 = vector.load %arg4[%get3A_6, %get3A_7, %get3A_8] : memref<2x1024x16xf32, #tpu.memory_space<vmem>>, vector<1x1024x1xf32>
    %get3A_10 = vector.shape_cast %get3A_9 : vector<1x1024x1xf32> to vector<1024x1xf32>
    %add3A_11 = arith.addf %add3A_5, %get3A_10 : vector<1024x1xf32>
    %rsqrt3A = math.rsqrt %add3A_11 : vector<1024x1xf32>
    %get3A_12 = arith.constant 0 : index
    %get3A_13 = arith.constant 0 : index
    %get3A_14 = vector.load %arg1[%get3A_12, %get3A_13] : memref<1024x128xf32, #tpu.memory_space<vmem>>, vector<1024x128xf32>
    %get3A_15 = arith.constant 0 : index
    %get3A_16 = arith.constant 0 : index
    %get3A_17 = vector.load %arg2[%get3A_15, %get3A_16] : memref<128x64xf32, #tpu.memory_space<vmem>>, vector<128x64xf32>
    %dot_general3A = arith.constant dense<0.000000e+00> : vector<1024x64xf32>
    %dot_general3A_18 = tpu.matmul %get3A_14, %get3A_17, %dot_general3A {dimension_numbers = #tpu.dot_dimension_numbers<[1], [0], [0], [1], [0, 0, 1, 1], [], []>, transpose_lhs_hint = false} : vector<1024x128xf32>, vector<128x64xf32>, vector<1024x64xf32> -> vector<1024x64xf32>
    %mul3A = vector.broadcast %rsqrt3A : vector<1024x1xf32> to vector<1024x64xf32>
    %mul3A_19 = arith.mulf %dot_general3A_18, %mul3A : vector<1024x64xf32>
    %swap3A = arith.constant 0 : index
    %swap3A_20 = arith.constant 0 : index
    %swap3A_21 = vector.load %arg5[%swap3A, %swap3A_20] : memref<1024x64xf32, #tpu.memory_space<vmem>>, vector<1024x64xf32>
    tpu.vector_store %arg5[%swap3A, %swap3A_20], %mul3A_19 {strides = array<i32>} : memref<1024x64xf32, #tpu.memory_space<vmem>>, vector<1024x64xf32>,
    %div3A = vector.broadcast %add3A_11 : vector<1024x1xf32> to vector<1024x64xf32>
    %div3A_22 = arith.divf %dot_general3A_18, %div3A : vector<1024x64xf32>
    %get3A_23 = arith.constant 0 : index
    %get3A_24 = arith.constant 0 : index
    %get3A_25 = vector.load %arg3[%get3A_23, %get3A_24] : memref<1x64xf32, #tpu.memory_space<vmem>>, vector<1x64xf32>
    %add3A_26 = vector.broadcast %get3A_25 : vector<1x64xf32> to vector<1024x64xf32>
    %add3A_27 = arith.addf %div3A_22, %add3A_26 : vector<1024x64xf32>
    %swap3A_28 = arith.constant 0 : index
    %swap3A_29 = arith.constant 0 : index
    %swap3A_30 = vector.load %arg6[%swap3A_28, %swap3A_29] : memref<1024x64xf32, #tpu.memory_space<vmem>>, vector<1024x64xf32>
    tpu.vector_store %arg6[%swap3A_28, %swap3A_29], %add3A_27 {strides = array<i32>} : memref<1024x64xf32, #tpu.memory_space<vmem>>, vector<1024x64xf32>,
    return
  }
  func.func @transform_0(%arg0: i32) -> (i32, i32) {
    %c0_i32 = arith.constant 0 : i32
    %c0_i32_0 = arith.constant 0 : i32
    return %arg0, %c0_i32 : i32, i32
  }
  func.func @transform_1(%arg0: i32) -> (i32, i32) {
    %c0_i32 = arith.constant 0 : i32
    %c0_i32_0 = arith.constant 0 : i32
    %c0_i32_1 = arith.constant 0 : i32
    return %c0_i32, %c0_i32_0 : i32, i32
  }
  func.func @transform_2(%arg0: i32) -> (i32, i32) {
    %c0_i32 = arith.constant 0 : i32
    %c0_i32_0 = arith.constant 0 : i32
    %c0_i32_1 = arith.constant 0 : i32
    return %c0_i32, %c0_i32_0 : i32, i32
  }
  func.func @transform_3(%arg0: i32) -> (i32, i32, i32) {
    %c0_i32 = arith.constant 0 : i32
    %c0_i32_0 = arith.constant 0 : i32
    %c0_i32_1 = arith.constant 0 : i32
    return %c0_i32, %arg0, %c0_i32_0 : i32, i32, i32
  }
  func.func @transform_4(%arg0: i32) -> (i32, i32) {
    %c0_i32 = arith.constant 0 : i32
    %c0_i32_0 = arith.constant 0 : i32
    return %arg0, %c0_i32 : i32, i32
  }
  func.func @transform_5(%arg0: i32) -> (i32, i32) {
    %c0_i32 = arith.constant 0 : i32
    %c0_i32_0 = arith.constant 0 : i32
    return %arg0, %c0_i32 : i32, i32
  }
}

module attributes {stable_mosaic.version = 14 : i64} {
  func.func @_tc_mid_body(%arg0: i32, %arg1: memref<2x1024x64xf32, #tpu.memory_space<vmem>>, %arg2: memref<1024x64xf32, #tpu.memory_space<vmem>>, %arg3: memref<64x64xf32, #tpu.memory_space<vmem>>, %arg4: memref<1x64xf32, #tpu.memory_space<vmem>>, %arg5: memref<2x1024x16xf32, #tpu.memory_space<vmem>>, %arg6: memref<1024x64xf32, #tpu.memory_space<vmem>>, %arg7: memref<1024x64xf32, #tpu.memory_space<vmem>>) attributes {dimension_semantics = [#tpu.dimension_semantics<arbitrary>], iteration_bounds = array<i64: 10>, scalar_prefetch = 0 : i64, scratch_operands = 0 : i64, tpu.core_type = #tpu.core_type<tc>, window_params = [{transform_indices = @transform_0, window_bounds = array<i64: 2, 1024, 64>}, {transform_indices = @transform_1, window_bounds = array<i64: 1024, 64>}, {pipeline_mode = #tpu.pipeline_mode<synchronous>, transform_indices = @transform_2, window_bounds = array<i64: 64, 64>}, {pipeline_mode = #tpu.pipeline_mode<synchronous>, transform_indices = @transform_3, window_bounds = array<i64: 1, 64>}, {transform_indices = @transform_4, window_bounds = array<i64: 2, 1024, 16>}, {transform_indices = @transform_5, window_bounds = array<i64: 1024, 64>}, {transform_indices = @transform_6, window_bounds = array<i64: 1024, 64>}]} {
    %get3A = arith.constant 0 : index
    %get3A_0 = arith.constant 0 : index
    %get3A_1 = arith.constant 0 : index
    %get3A_2 = vector.load %arg5[%get3A, %get3A_0, %get3A_1] : memref<2x1024x16xf32, #tpu.memory_space<vmem>>, vector<1x1024x1xf32>
    %get3A_3 = vector.shape_cast %get3A_2 : vector<1x1024x1xf32> to vector<1024x1xf32>
    %add3A = arith.constant 1.000000e+00 : f32
    %add3A_4 = vector.broadcast %add3A : f32 to vector<1024x1xf32>
    %add3A_5 = arith.addf %add3A_4, %get3A_3 : vector<1024x1xf32>
    %get3A_6 = arith.constant 1 : index
    %get3A_7 = arith.constant 0 : index
    %get3A_8 = arith.constant 0 : index
    %get3A_9 = vector.load %arg5[%get3A_6, %get3A_7, %get3A_8] : memref<2x1024x16xf32, #tpu.memory_space<vmem>>, vector<1x1024x1xf32>
    %get3A_10 = vector.shape_cast %get3A_9 : vector<1x1024x1xf32> to vector<1024x1xf32>
    %add3A_11 = arith.addf %add3A_5, %get3A_10 : vector<1024x1xf32>
    %rsqrt3A = math.rsqrt %add3A_11 : vector<1024x1xf32>
    %get3A_12 = arith.constant 0 : index
    %get3A_13 = arith.constant 0 : index
    %get3A_14 = arith.constant 0 : index
    %get3A_15 = vector.load %arg1[%get3A_12, %get3A_13, %get3A_14] : memref<2x1024x64xf32, #tpu.memory_space<vmem>>, vector<1x1024x64xf32>
    %get3A_16 = vector.shape_cast %get3A_15 : vector<1x1024x64xf32> to vector<1024x64xf32>
    %get3A_17 = arith.constant 1 : index
    %get3A_18 = arith.constant 0 : index
    %get3A_19 = arith.constant 0 : index
    %get3A_20 = vector.load %arg1[%get3A_17, %get3A_18, %get3A_19] : memref<2x1024x64xf32, #tpu.memory_space<vmem>>, vector<1x1024x64xf32>
    %get3A_21 = vector.shape_cast %get3A_20 : vector<1x1024x64xf32> to vector<1024x64xf32>
    %add3A_22 = arith.addf %get3A_16, %get3A_21 : vector<1024x64xf32>
    %mul3A = vector.broadcast %rsqrt3A : vector<1024x1xf32> to vector<1024x64xf32>
    %mul3A_23 = arith.mulf %mul3A, %add3A_22 : vector<1024x64xf32>
    %get3A_24 = arith.constant 0 : index
    %get3A_25 = arith.constant 0 : index
    %get3A_26 = vector.load %arg2[%get3A_24, %get3A_25] : memref<1024x64xf32, #tpu.memory_space<vmem>>, vector<1024x64xf32>
    %add3A_27 = arith.addf %mul3A_23, %get3A_26 : vector<1024x64xf32>
    %max3A = arith.constant 0.000000e+00 : f32
    %max3A_28 = vector.broadcast %max3A : f32 to vector<1024x64xf32>
    %max3A_29 = arith.maximumf %add3A_27, %max3A_28 : vector<1024x64xf32>
    %get3A_30 = arith.constant 0 : index
    %get3A_31 = arith.constant 0 : index
    %get3A_32 = vector.load %arg3[%get3A_30, %get3A_31] : memref<64x64xf32, #tpu.memory_space<vmem>>, vector<64x64xf32>
    %dot_general3A = arith.constant dense<0.000000e+00> : vector<1024x64xf32>
    %dot_general3A_33 = tpu.matmul %max3A_29, %get3A_32, %dot_general3A {dimension_numbers = #tpu.dot_dimension_numbers<[1], [0], [0], [1], [0, 0, 1, 1], [], []>, transpose_lhs_hint = false} : vector<1024x64xf32>, vector<64x64xf32>, vector<1024x64xf32> -> vector<1024x64xf32>
    %mul3A_34 = vector.broadcast %rsqrt3A : vector<1024x1xf32> to vector<1024x64xf32>
    %mul3A_35 = arith.mulf %dot_general3A_33, %mul3A_34 : vector<1024x64xf32>
    %swap3A = arith.constant 0 : index
    %swap3A_36 = arith.constant 0 : index
    %swap3A_37 = vector.load %arg6[%swap3A, %swap3A_36] : memref<1024x64xf32, #tpu.memory_space<vmem>>, vector<1024x64xf32>
    tpu.vector_store %arg6[%swap3A, %swap3A_36], %mul3A_35 {strides = array<i32>} : memref<1024x64xf32, #tpu.memory_space<vmem>>, vector<1024x64xf32>,
    %div3A = vector.broadcast %add3A_11 : vector<1024x1xf32> to vector<1024x64xf32>
    %div3A_38 = arith.divf %dot_general3A_33, %div3A : vector<1024x64xf32>
    %get3A_39 = arith.constant 0 : index
    %get3A_40 = arith.constant 0 : index
    %get3A_41 = vector.load %arg4[%get3A_39, %get3A_40] : memref<1x64xf32, #tpu.memory_space<vmem>>, vector<1x64xf32>
    %add3A_42 = vector.broadcast %get3A_41 : vector<1x64xf32> to vector<1024x64xf32>
    %add3A_43 = arith.addf %div3A_38, %add3A_42 : vector<1024x64xf32>
    %swap3A_44 = arith.constant 0 : index
    %swap3A_45 = arith.constant 0 : index
    %swap3A_46 = vector.load %arg7[%swap3A_44, %swap3A_45] : memref<1024x64xf32, #tpu.memory_space<vmem>>, vector<1024x64xf32>
    tpu.vector_store %arg7[%swap3A_44, %swap3A_45], %add3A_43 {strides = array<i32>} : memref<1024x64xf32, #tpu.memory_space<vmem>>, vector<1024x64xf32>,
    return
  }
  func.func @transform_0(%arg0: i32) -> (i32, i32, i32) {
    %c0_i32 = arith.constant 0 : i32
    %c0_i32_0 = arith.constant 0 : i32
    %c0_i32_1 = arith.constant 0 : i32
    return %c0_i32, %arg0, %c0_i32_0 : i32, i32, i32
  }
  func.func @transform_1(%arg0: i32) -> (i32, i32) {
    %c0_i32 = arith.constant 0 : i32
    %c0_i32_0 = arith.constant 0 : i32
    return %arg0, %c0_i32 : i32, i32
  }
  func.func @transform_2(%arg0: i32) -> (i32, i32) {
    %c0_i32 = arith.constant 0 : i32
    %c0_i32_0 = arith.constant 0 : i32
    %c0_i32_1 = arith.constant 0 : i32
    return %c0_i32, %c0_i32_0 : i32, i32
  }
  func.func @transform_3(%arg0: i32) -> (i32, i32) {
    %c0_i32 = arith.constant 0 : i32
    %c0_i32_0 = arith.constant 0 : i32
    %c0_i32_1 = arith.constant 0 : i32
    return %c0_i32, %c0_i32_0 : i32, i32
  }
  func.func @transform_4(%arg0: i32) -> (i32, i32, i32) {
    %c0_i32 = arith.constant 0 : i32
    %c0_i32_0 = arith.constant 0 : i32
    %c0_i32_1 = arith.constant 0 : i32
    return %c0_i32, %arg0, %c0_i32_0 : i32, i32, i32
  }
  func.func @transform_5(%arg0: i32) -> (i32, i32) {
    %c0_i32 = arith.constant 0 : i32
    %c0_i32_0 = arith.constant 0 : i32
    return %arg0, %c0_i32 : i32, i32
  }
  func.func @transform_6(%arg0: i32) -> (i32, i32) {
    %c0_i32 = arith.constant 0 : i32
    %c0_i32_0 = arith.constant 0 : i32
    return %arg0, %c0_i32 : i32, i32
  }
}

module attributes {stable_mosaic.version = 14 : i64} {
  func.func @_tc_fin_body(%arg0: i32, %arg1: memref<2x1024x64xf32, #tpu.memory_space<vmem>>, %arg2: memref<1024x64xf32, #tpu.memory_space<vmem>>, %arg3: memref<2x1024x16xf32, #tpu.memory_space<vmem>>, %arg4: memref<1x1x1024xi32, #tpu.memory_space<vmem>>, %arg5: memref<64x1xf32, #tpu.memory_space<vmem>>, %arg6: memref<1x1xf32, #tpu.memory_space<vmem>>, %arg7: memref<64x1xf32, #tpu.memory_space<vmem>>, %arg8: memref<64x64xf32, #tpu.memory_space<vmem>>, %arg9: memref<64x64xf32, #tpu.memory_space<vmem>>) attributes {dimension_semantics = [#tpu.dimension_semantics<arbitrary>], iteration_bounds = array<i64: 10>, scalar_prefetch = 0 : i64, scratch_operands = 2 : i64, tpu.core_type = #tpu.core_type<tc>, window_params = [{transform_indices = @transform_0, window_bounds = array<i64: 2, 1024, 64>}, {transform_indices = @transform_1, window_bounds = array<i64: 1024, 64>}, {transform_indices = @transform_2, window_bounds = array<i64: 2, 1024, 16>}, {transform_indices = @transform_3, window_bounds = array<i64: 1, 1, 1024>}, {pipeline_mode = #tpu.pipeline_mode<synchronous>, transform_indices = @transform_4, window_bounds = array<i64: 64, 1>}, {pipeline_mode = #tpu.pipeline_mode<synchronous>, transform_indices = @transform_5, window_bounds = array<i64: 1, 1>}, {pipeline_mode = #tpu.pipeline_mode<synchronous>, transform_indices = @transform_6, window_bounds = array<i64: 64, 1>}]} {
    %get3A = arith.constant 0 : index
    %get3A_0 = arith.constant 0 : index
    %get3A_1 = arith.constant 0 : index
    %get3A_2 = vector.load %arg3[%get3A, %get3A_0, %get3A_1] : memref<2x1024x16xf32, #tpu.memory_space<vmem>>, vector<1x1024x1xf32>
    %get3A_3 = vector.shape_cast %get3A_2 : vector<1x1024x1xf32> to vector<1024x1xf32>
    %add3A = arith.constant 1.000000e+00 : f32
    %add3A_4 = vector.broadcast %add3A : f32 to vector<1024x1xf32>
    %add3A_5 = arith.addf %add3A_4, %get3A_3 : vector<1024x1xf32>
    %get3A_6 = arith.constant 1 : index
    %get3A_7 = arith.constant 0 : index
    %get3A_8 = arith.constant 0 : index
    %get3A_9 = vector.load %arg3[%get3A_6, %get3A_7, %get3A_8] : memref<2x1024x16xf32, #tpu.memory_space<vmem>>, vector<1x1024x1xf32>
    %get3A_10 = vector.shape_cast %get3A_9 : vector<1x1024x1xf32> to vector<1024x1xf32>
    %add3A_11 = arith.addf %add3A_5, %get3A_10 : vector<1024x1xf32>
    %rsqrt3A = math.rsqrt %add3A_11 : vector<1024x1xf32>
    %get3A_12 = arith.constant 0 : index
    %get3A_13 = arith.constant 0 : index
    %get3A_14 = arith.constant 0 : index
    %get3A_15 = vector.load %arg1[%get3A_12, %get3A_13, %get3A_14] : memref<2x1024x64xf32, #tpu.memory_space<vmem>>, vector<1x1024x64xf32>
    %get3A_16 = vector.shape_cast %get3A_15 : vector<1x1024x64xf32> to vector<1024x64xf32>
    %get3A_17 = arith.constant 1 : index
    %get3A_18 = arith.constant 0 : index
    %get3A_19 = arith.constant 0 : index
    %get3A_20 = vector.load %arg1[%get3A_17, %get3A_18, %get3A_19] : memref<2x1024x64xf32, #tpu.memory_space<vmem>>, vector<1x1024x64xf32>
    %get3A_21 = vector.shape_cast %get3A_20 : vector<1x1024x64xf32> to vector<1024x64xf32>
    %add3A_22 = arith.addf %get3A_16, %get3A_21 : vector<1024x64xf32>
    %mul3A = vector.broadcast %rsqrt3A : vector<1024x1xf32> to vector<1024x64xf32>
    %mul3A_23 = arith.mulf %mul3A, %add3A_22 : vector<1024x64xf32>
    %get3A_24 = arith.constant 0 : index
    %get3A_25 = arith.constant 0 : index
    %get3A_26 = vector.load %arg2[%get3A_24, %get3A_25] : memref<1024x64xf32, #tpu.memory_space<vmem>>, vector<1024x64xf32>
    %add3A_27 = arith.addf %mul3A_23, %get3A_26 : vector<1024x64xf32>
    %max3A = arith.constant 0.000000e+00 : f32
    %max3A_28 = vector.broadcast %max3A : f32 to vector<1024x64xf32>
    %max3A_29 = arith.maximumf %add3A_27, %max3A_28 : vector<1024x64xf32>
    %get3A_30 = arith.constant 0 : index
    %get3A_31 = arith.constant 0 : index
    %get3A_32 = arith.constant 0 : index
    %get3A_33 = vector.load %arg4[%get3A_30, %get3A_31, %get3A_32] : memref<1x1x1024xi32, #tpu.memory_space<vmem>>, vector<1x1x1024xi32>
    %get3A_34 = vector.shape_cast %get3A_33 : vector<1x1x1024xi32> to vector<1x1024xi32>
    %iota3A = tpu.iota {dimensions = array<i32: 0>} : vector<64x1xi32>
    %eq3A = vector.broadcast %get3A_34 : vector<1x1024xi32> to vector<64x1024xi32>
    %eq3A_35 = vector.broadcast %iota3A : vector<64x1xi32> to vector<64x1024xi32>
    %eq3A_36 = arith.cmpi eq, %eq3A, %eq3A_35 : vector<64x1024xi32>
    %convert_element_type3A = arith.extui %eq3A_36 : vector<64x1024xi1> to vector<64x1024xi32>
    %convert_element_type3A_37 = arith.sitofp %convert_element_type3A : vector<64x1024xi32> to vector<64x1024xf32>
    %eq3A_38 = arith.constant 0 : i32
    %eq3A_39 = arith.cmpi eq, %arg0, %eq3A_38 : i32
    %convert_element_type3A_40 = arith.extui %eq3A_39 : i1 to i32
    %cond3A = arith.constant 0 : i32
    %cond3A_41 = arith.cmpi ne, %convert_element_type3A_40, %cond3A : i32
    scf.if %cond3A_41 {
      %broadcast_in_dim3A_64 = arith.constant 0.000000e+00 : f32
      %broadcast_in_dim3A_65 = vector.broadcast %broadcast_in_dim3A_64 : f32 to vector<64x64xf32>
      %swap3A_66 = arith.constant 0 : index
      %swap3A_67 = arith.constant 0 : index
      %swap3A_68 = vector.load %arg8[%swap3A_66, %swap3A_67] : memref<64x64xf32, #tpu.memory_space<vmem>>, vector<64x64xf32>
      tpu.vector_store %arg8[%swap3A_66, %swap3A_67], %broadcast_in_dim3A_65 {strides = array<i32>} : memref<64x64xf32, #tpu.memory_space<vmem>>, vector<64x64xf32>,
      %broadcast_in_dim3A_69 = arith.constant 0.000000e+00 : f32
      %broadcast_in_dim3A_70 = vector.broadcast %broadcast_in_dim3A_69 : f32 to vector<64x64xf32>
      %swap3A_71 = arith.constant 0 : index
      %swap3A_72 = arith.constant 0 : index
      %swap3A_73 = vector.load %arg9[%swap3A_71, %swap3A_72] : memref<64x64xf32, #tpu.memory_space<vmem>>, vector<64x64xf32>
      tpu.vector_store %arg9[%swap3A_71, %swap3A_72], %broadcast_in_dim3A_70 {strides = array<i32>} : memref<64x64xf32, #tpu.memory_space<vmem>>, vector<64x64xf32>,
    } else {
    }
    %get3A_42 = arith.constant 0 : index
    %get3A_43 = arith.constant 0 : index
    %get3A_44 = vector.load %arg8[%get3A_42, %get3A_43] : memref<64x64xf32, #tpu.memory_space<vmem>>, vector<64x64xf32>
    %dot_general3A = arith.constant dense<0.000000e+00> : vector<64x64xf32>
    %dot_general3A_45 = tpu.matmul %convert_element_type3A_37, %max3A_29, %dot_general3A {dimension_numbers = #tpu.dot_dimension_numbers<[1], [0], [0], [1], [0, 0, 1, 1], [], []>, transpose_lhs_hint = false} : vector<64x1024xf32>, vector<1024x64xf32>, vector<64x64xf32> -> vector<64x64xf32>
    %add3A_46 = arith.addf %get3A_44, %dot_general3A_45 : vector<64x64xf32>
    %swap3A = arith.constant 0 : index
    %swap3A_47 = arith.constant 0 : index
    %swap3A_48 = vector.load %arg8[%swap3A, %swap3A_47] : memref<64x64xf32, #tpu.memory_space<vmem>>, vector<64x64xf32>
    tpu.vector_store %arg8[%swap3A, %swap3A_47], %add3A_46 {strides = array<i32>} : memref<64x64xf32, #tpu.memory_space<vmem>>, vector<64x64xf32>,
    %get3A_49 = arith.constant 0 : index
    %get3A_50 = arith.constant 0 : index
    %get3A_51 = vector.load %arg9[%get3A_49, %get3A_50] : memref<64x64xf32, #tpu.memory_space<vmem>>, vector<64x64xf32>
    %broadcast_in_dim3A = arith.constant 1.000000e+00 : f32
    %broadcast_in_dim3A_52 = vector.broadcast %broadcast_in_dim3A : f32 to vector<1024x64xf32>
    %dot_general3A_53 = arith.constant dense<0.000000e+00> : vector<64x64xf32>
    %dot_general3A_54 = tpu.matmul %convert_element_type3A_37, %broadcast_in_dim3A_52, %dot_general3A_53 {dimension_numbers = #tpu.dot_dimension_numbers<[1], [0], [0], [1], [0, 0, 1, 1], [], []>, transpose_lhs_hint = false} : vector<64x1024xf32>, vector<1024x64xf32>, vector<64x64xf32> -> vector<64x64xf32>
    %add3A_55 = arith.addf %get3A_51, %dot_general3A_54 : vector<64x64xf32>
    %swap3A_56 = arith.constant 0 : index
    %swap3A_57 = arith.constant 0 : index
    %swap3A_58 = vector.load %arg9[%swap3A_56, %swap3A_57] : memref<64x64xf32, #tpu.memory_space<vmem>>, vector<64x64xf32>
    tpu.vector_store %arg9[%swap3A_56, %swap3A_57], %add3A_55 {strides = array<i32>} : memref<64x64xf32, #tpu.memory_space<vmem>>, vector<64x64xf32>,
    %eq3A_59 = arith.constant 9 : i32
    %eq3A_60 = arith.cmpi eq, %arg0, %eq3A_59 : i32
    %convert_element_type3A_61 = arith.extui %eq3A_60 : i1 to i32
    %cond3A_62 = arith.constant 0 : i32
    %cond3A_63 = arith.cmpi ne, %convert_element_type3A_61, %cond3A_62 : i32
    scf.if %cond3A_63 {
      %get3A_64 = arith.constant 0 : index
      %get3A_65 = arith.constant 0 : index
      %get3A_66 = vector.load %arg8[%get3A_64, %get3A_65] : memref<64x64xf32, #tpu.memory_space<vmem>>, vector<64x64xf32>
      %get3A_67 = arith.constant 0 : index
      %get3A_68 = arith.constant 0 : index
      %get3A_69 = vector.load %arg9[%get3A_67, %get3A_68] : memref<64x64xf32, #tpu.memory_space<vmem>>, vector<64x64xf32>
      %max3A_70 = arith.constant 1.000000e+00 : f32
      %max3A_71 = vector.broadcast %max3A_70 : f32 to vector<64x64xf32>
      %max3A_72 = arith.maximumf %get3A_69, %max3A_71 : vector<64x64xf32>
      %div3A = arith.divf %get3A_66, %max3A_72 : vector<64x64xf32>
      %get3A_73 = arith.constant 0 : index
      %get3A_74 = arith.constant 0 : index
      %get3A_75 = vector.load %arg5[%get3A_73, %get3A_74] : memref<64x1xf32, #tpu.memory_space<vmem>>, vector<64x1xf32>
      %dot_general3A_76 = arith.constant dense<0.000000e+00> : vector<64x1xf32>
      %dot_general3A_77 = tpu.matmul %div3A, %get3A_75, %dot_general3A_76 {dimension_numbers = #tpu.dot_dimension_numbers<[1], [0], [0], [1], [0, 0, 1, 1], [], []>, transpose_lhs_hint = false} : vector<64x64xf32>, vector<64x1xf32>, vector<64x1xf32> -> vector<64x1xf32>
      %get3A_78 = arith.constant 0 : index
      %get3A_79 = arith.constant 0 : index
      %get3A_80 = vector.load %arg6[%get3A_78, %get3A_79] : memref<1x1xf32, #tpu.memory_space<vmem>>, vector<1x1xf32>
      %add3A_81 = vector.broadcast %get3A_80 : vector<1x1xf32> to vector<64x1xf32>
      %add3A_82 = arith.addf %dot_general3A_77, %add3A_81 : vector<64x1xf32>
      %swap3A_83 = arith.constant 0 : index
      %swap3A_84 = arith.constant 0 : index
      %swap3A_85 = vector.load %arg7[%swap3A_83, %swap3A_84] : memref<64x1xf32, #tpu.memory_space<vmem>>, vector<64x1xf32>
      tpu.vector_store %arg7[%swap3A_83, %swap3A_84], %add3A_82 {strides = array<i32>} : memref<64x1xf32, #tpu.memory_space<vmem>>, vector<64x1xf32>,
    } else {
    }
    return
  }
  func.func @transform_0(%arg0: i32) -> (i32, i32, i32) {
    %c0_i32 = arith.constant 0 : i32
    %c0_i32_0 = arith.constant 0 : i32
    %c0_i32_1 = arith.constant 0 : i32
    return %c0_i32, %arg0, %c0_i32_0 : i32, i32, i32
  }
  func.func @transform_1(%arg0: i32) -> (i32, i32) {
    %c0_i32 = arith.constant 0 : i32
    %c0_i32_0 = arith.constant 0 : i32
    return %arg0, %c0_i32 : i32, i32
  }
  func.func @transform_2(%arg0: i32) -> (i32, i32, i32) {
    %c0_i32 = arith.constant 0 : i32
    %c0_i32_0 = arith.constant 0 : i32
    %c0_i32_1 = arith.constant 0 : i32
    return %c0_i32, %arg0, %c0_i32_0 : i32, i32, i32
  }
  func.func @transform_3(%arg0: i32) -> (i32, i32, i32) {
    %c0_i32 = arith.constant 0 : i32
    %c0_i32_0 = arith.constant 0 : i32
    %c0_i32_1 = arith.constant 0 : i32
    return %arg0, %c0_i32, %c0_i32_0 : i32, i32, i32
  }
  func.func @transform_4(%arg0: i32) -> (i32, i32) {
    %c0_i32 = arith.constant 0 : i32
    %c0_i32_0 = arith.constant 0 : i32
    %c0_i32_1 = arith.constant 0 : i32
    return %c0_i32, %c0_i32_0 : i32, i32
  }
  func.func @transform_5(%arg0: i32) -> (i32, i32) {
    %c0_i32 = arith.constant 0 : i32
    %c0_i32_0 = arith.constant 0 : i32
    %c0_i32_1 = arith.constant 0 : i32
    return %c0_i32, %c0_i32_0 : i32, i32
  }
  func.func @transform_6(%arg0: i32) -> (i32, i32) {
    %c0_i32 = arith.constant 0 : i32
    %c0_i32_0 = arith.constant 0 : i32
    %c0_i32_1 = arith.constant 0 : i32
    return %c0_i32, %c0_i32_0 : i32, i32
  }
}

</mosaic_0001>

<sc_bundles>
// kernel: kernel.10.cloned.1.call-start
scs
__scs_entry_jumppad:
0x0: {  	(pc) =	sbr.rel $0x88, $3  }
0x1: {  	(tag) =	ssettag $0x0;
	lr =	simm.s32 $0x1  }
0x2: {  	[smem:$0x3F96] =	sst lr;
	_ =	strace $0xD0000000  }
0x3: {  	_ = 	snop  }
0x4: {  	_ = 	snop  }
0x5: {  	_ = 	snop  }
0x6: {  	_ = 	snop  }
0x7: {  	_ = 	snop  }
__scs_overlays_trampoline_lowered:
0x8: {  	[smem:$0x3FA5] =	sst s0  }
0x9: {  	[smem:$0x3FA6] =	sst s1  }
0xa: {  	[smem:$0x3FA7] =	sst s2  }
0xb: {  	[smem:$0x3FA8] =	sst s3  }
0xc: {  	[smem:$0x3FA9] =	sst s4  }
0xd: {  	[smem:$0x3FAA] =	sst s5  }
0xe: {  	[smem:$0x3FAB] =	sst s6  }
0xf: {  	[smem:$0x3FAC] =	sst s7  }
0x10: {  	[smem:$0x3FAD] =	sst s8  }
0x11: {  	[smem:$0x3FAE] =	sst s9;
	s0 =	simm.s32 @!p0 $0x0  }
0x12: {  	s1 =	sld [smem:$0x3F94];
	s0 =	simm.s32 @p0 $0x1  }
0x13: {  	[smem:$0x3FAF] =	sst s0;
	s0 =	simm.s32 @!p1 $0x0  }
0x14: {  	s2 =	sld [smem:$0x3F93];
	s0 =	simm.s32 @p1 $0x1  }
0x15: {  	[smem:$0x3FB0] =	sst s0;
	s0 =	simm.s32 @!p2 $0x0  }
0x16: {  	s3 =	sld [smem:$0x3FDB];
	s0 =	simm.s32 @p2 $0x1  }
0x17: {  	s4 =	simm.s32 $0x1BF5;
	[smem:$0x3FB2] =	sst s0  }
0x18: {  	s0 =	sld [smem:$0x3F95];
	_ =	swait.ge [sflag:s4], $0x0  }
0x19: {  	s7 =	sld [smem:$0x3F96]  }
0x1a: {  	s8 =	sadd.s32 $0xFFFFE003, lr  }
0x1b: {  	s9 =	sadd.s32 $0xFFFFFEF7, lr;
	s5 =	simm.s32 $0xFFFFFFFF;
	p2 =	slt.u32 s8, $0xFFFFF086  }
0x1c: {  	p1 =	slt.u32 s9, $0xF7A;
	s5 =	simm.s32 @!p2 $0x0  }
0x1d: {  	s5 =	simm.s32 @p1 $0x1;
	p0 =	seq.s32 s7, s2  }
0x1e: {  	s7 =	smul.u32 @!p0 $0xF7A, s2;
	p2 =	seq.s32 @!p0 s5, $0x0  }
0x1f: {  	s9 =	smul.u32 $0xF7A, s1;
	s8 =	simm.s32 @!p0 $0x1BF5;
	p2 =	por !p2, p0  }
0x20: {  	[sflag:s8] =	ssyncset.s32 @!p0 $0xFFFFF086;
	s6 =	sadd.s32 @!p0 s3, s7;
	s7 =	simm.s32 @!p0 $0x108  }
0x21: {  	s3 =	sadd.s32 s3, s9;
	s6 =	sadd.s32 @!p0 $0x88, s6;
	s7 =	simm.s32 @p2 $0x1082  }
0x22: {  	[simem:s7], [sflag:s8] =	dma.local @!p0 [hbm:s6], $0xF7A  }
0x23: {  	s9 =	sor.u32 $0xD0000000, s2;
	s6 =	simm.s32 $0x108;
	_ =	swait.ge @!p0 [sflag:s8], $0x0  }
0x24: {  	s3 =	sadd.s32 $0x88, s3;
	s6 =	simm.s32 @!p1 $0x1082;
	[sflag:s4] =	ssyncset.s32 $0xFFFFF086  }
0x25: {  	[simem:s6], [sflag:s4] =	dma.local [hbm:s3], $0xF7A  }
0x26: {  	[smem:$0x3F96] =	sst s1;
	(tag) =	ssettag s2;
	_ =	strace s9  }
0x27: {  	s1 =	sld [smem:$0x3FA6]  }
0x28: {  	s2 =	sld [smem:$0x3FA7]  }
0x29: {  	s4 =	sld [smem:$0x3FA9]  }
0x2a: {  	p0 =	seq.s32 s5, $0x0;
	s5 =	sld [smem:$0x3FAA]  }
0x2b: {  	s6 =	sld [smem:$0x3FAB]  }
0x2c: {  	s7 =	sld [smem:$0x3FAC]  }
0x2d: {  	s3 =	simm.s32 $0x108;
	s8 =	sld [smem:$0x3FAD]  }
0x2e: {  	s3 =	simm.s32 @!p0 $0x1082;
	s9 =	sld [smem:$0x3FAE]  }
0x2f: {  	lr =	sadd.s32 s0, s3;
	s0 =	sld [smem:$0x3FA5]  }
0x30: {  	s3 =	sld [smem:$0x3FA8]  }
0x31: {  	[smem:$0x3FB1] =	sst s10  }
0x32: {  	s10 =	sld [smem:$0x3FAF];
	_ =	sdelay $0x3  }
0x33: {  	p0 =	seq.s32 s10, $0x1;
	s10 =	sld [smem:$0x3FB1];
	_ =	sdelay $0x3  }
0x34: {  	[smem:$0x3FB1] =	sst s10  }
0x35: {  	s10 =	sld [smem:$0x3FB0];
	_ =	sdelay $0x3  }
0x36: {  	p1 =	seq.s32 s10, $0x1;
	s10 =	sld [smem:$0x3FB1];
	_ =	sdelay $0x3  }
0x37: {  	[smem:$0x3FB1] =	sst s10  }
0x38: {  	s10 =	sld [smem:$0x3FB2]  }
0x39: {  	_ = 	snop;
	(pc) =	sbr.ind lr, $3  }
0x3a: {  	_ = 	snop  }
0x3b: {  	_ = 	snop  }
0x3c: {  	p2 =	seq.s32 s10, $0x1;
	s10 =	sld [smem:$0x3FB1]  }
0x3d: {  	_ =	shalt  }
0x3e: {  	_ =	shalt  }
0x3f: {  	_ =	shalt  }
0x40: {  	_ =	shalt  }
0x41: {  	_ =	shalt  }
0x42: {  	_ =	shalt  }
0x43: {  	_ =	shalt  }
0x44: {  	_ =	shalt  }
0x45: {  	_ =	shalt  }
0x46: {  	_ =	shalt  }
0x47: {  	_ =	shalt  }
0x48: {  	_ =	shalt  }
0x49: {  	_ =	shalt  }
0x4a: {  	_ =	shalt  }
0x4b: {  	_ =	shalt  }
0x4c: {  	_ =	shalt  }
0x4d: {  	_ =	shalt  }
0x4e: {  	_ =	shalt  }
0x4f: {  	_ =	shalt  }
0x50: {  	_ =	shalt  }
0x51: {  	_ =	shalt  }
0x52: {  	_ =	shalt  }
0x53: {  	_ =	shalt  }
0x54: {  	_ =	shalt  }
0x55: {  	_ =	shalt  }
0x56: {  	_ =	shalt  }
0x57: {  	_ =	shalt  }
0x58: {  	_ =	shalt  }
0x59: {  	_ =	shalt  }
0x5a: {  	_ =	shalt  }
0x5b: {  	_ =	shalt  }
0x5c: {  	_ =	shalt  }
0x5d: {  	_ =	shalt  }
0x5e: {  	_ =	shalt  }
0x5f: {  	_ =	shalt  }
0x60: {  	_ =	shalt  }
0x61: {  	_ =	shalt  }
0x62: {  	_ =	shalt  }
0x63: {  	_ =	shalt  }
0x64: {  	_ =	shalt  }
0x65: {  	_ =	shalt  }
0x66: {  	_ =	shalt  }
0x67: {  	_ =	shalt  }
0x68: {  	_ =	shalt  }
0x69: {  	_ =	shalt  }
0x6a: {  	_ =	shalt  }
0x6b: {  	_ =	shalt  }
0x6c: {  	_ =	shalt  }
0x6d: {  	_ =	shalt  }
0x6e: {  	_ =	shalt  }
0x6f: {  	_ =	shalt  }
0x70: {  	_ =	shalt  }
0x71: {  	_ =	shalt  }
0x72: {  	_ =	shalt  }
0x73: {  	_ =	shalt  }
0x74: {  	_ =	shalt  }
0x75: {  	_ =	shalt  }
0x76: {  	_ =	shalt  }
0x77: {  	_ =	shalt  }
0x78: {  	_ =	shalt  }
0x79: {  	_ =	shalt  }
0x7a: {  	_ =	shalt  }
0x7b: {  	_ =	shalt  }
0x7c: {  	_ =	shalt  }
0x7d: {  	_ =	shalt  }
0x7e: {  	_ =	shalt  }
0x7f: {  	_ =	shalt  }
0x80: {  	_ =	shalt  }
0x81: {  	_ =	shalt  }
0x82: {  	_ =	shalt  }
0x83: {  	_ =	shalt  }
0x84: {  	_ =	shalt  }
0x85: {  	_ =	shalt  }
0x86: {  	_ =	shalt  }
0x87: {  	_ =	shalt  }
.Lfunc_end0:
.L_simem_size_0:
called_computation_lowered:
.L_overlay_start_0:
0x88: {  	s2 =	sld [smem:$0x3FD9]  }
0x89: {  	s3 =	sld [smem:$0x3FFE];
	_ =	sdelay $0x1  }
0x8a: {  	s1 =	srdreg.scid  }
0x8b: {  	s0 =	sand.u32 $0x1, s1  }
0x8c: {  	s16 =	sshll.u32 s0, $0xA;
	s2 =	sadd.s32 s3, s2  }
0x8d: {  	s2 =	sadd.s32 s2, s16  }
0x8e: {  	[smem:$0x3FBD] =	sst s2  }
0x8f: {  	_ = 	snop  }
0x90: {  	(tm) =	ssettm $0x1  }
0x91: {  	s17 =	sld [smem:$0x3FFB];
	_ =	sdelay $0x3  }
0x92: {  	_ =	strace s17  }
0x93: {  	s2 =	sld [smem:$0x3FFC];
	_ =	sdelay $0x3  }
0x94: {  	_ =	strace s2  }
0x95: {  	s2 =	sld [smem:$0x3FFD];
	_ =	sdelay $0x3  }
0x96: {  	_ =	strace s2  }
0x97: {  	_ =	strace $0x8FFFFFFF  }
0x98: {  	s18 =	sld [smem:$0x3FDB];
	_ =	sdelay $0x1  }
0x99: {  	s19 =	simm.s32 $_scs_section_size  }
0x9a: {  	s4 =	simm.s32 $_size__tile_overlayer_lowered;
	s5 =	simm.s32 $_tile_overlayer_lowered  }
0x9b: {  	s22 =	simm.s32 $0x1BFF;
	s21 =	sshll.u32 s5, $0x1;
	s2 =	sadd.s32 s19, s18  }
0x9c: {  	s6 =	simm.s32 $0x0;
	s20 =	sshll.u32 s4, $0x1;
	s4 =	sadd.s32 s21, s2  }
0x9d: {  	[timem:s6], [sflag:s22] =	dma.local [hbm:s4], s20  }
0x9e: {  	_ =	swait.ge [sflag:s22], s20  }
0x9f: {  	s3 =	ssub.s32 $0x0, s20;
	[sflag:s22] =	ssyncset.done $0x0  }
0xa0: {  	[sflag:s22] =	ssyncadd.s32 s3;
	_ =	sdelay $0x1  }
0xa1: {  	s23 =	simm.s32 $0x1B8B  }
0xa2: {  	_ =	swait.ge [sflag:s23], $0x1  }
0xa3: {  	[sflag:s23] =	ssyncset.done $0x0  }
0xa4: {  	s25 =	simm.s32 $0x1B8E;
	s24 =	sld [smem:$0x3FFE];
	[sflag:s23] =	ssyncadd.s32 $0xFFFFFFFF  }
0xa5: {  	s26 =	simm.s32 $execute0_lowered;
	[smem:$0x3FD2] =	sst s25  }
0xa6: {  	s4 =	sshll.u32 s26, $0x1;
	_ =	strace $0x80000046;
	[dreg:$0x1] =	wrdreg $0xFFFFFFFF  }
0xa7: {  	s28 =	simm.s32 $_size_execute0_lowered;
	s2 =	sadd.s32 s2, s4;
	[dreg:$0x0] =	wrdreg $0x0  }
0xa8: {  	s4 =	sshll.u32 s28, $0x1;
	[dreg:$0x2] =	wrdreg s2  }
0xa9: {  	[dreg:$0x3] =	wrdreg s4  }
0xaa: {  	[dreg:$0x4] =	wrdreg $0xC0  }
0xab: {  	_ =	task [dreg:s6], $0x5FFFF  }
0xac: {  	[dreg:$0x1] =	wrdreg $0xFFFFFFFF  }
0xad: {  	[dreg:$0x0] =	wrdreg $0x60  }
0xae: {  	[dreg:$0x2] =	wrdreg s24  }
0xaf: {  	[dreg:$0x3] =	wrdreg $0x30000  }
0xb0: {  	[dreg:$0x4] =	wrdreg $0x9  }
0xb1: {  	_ =	task.clear_ibuf [dreg:s6], $0x5FFFF;
	_ =	strace $0x90000046  }
0xb2: {  	s29 =	simm.s32 $0x9;
	_ =	strace $0x80000048  }
0xb3: {  	_ =	swait.ge [sflag:s29], $0x1  }
0xb4: {  	[sflag:s29] =	ssyncadd.s32 $0xFFFFFFFF  }
0xb5: {  	_ =	strace $0x90000048  }
0xb6: {  	_ =	sfence  }
0xb7: {  	s30 =	sld [smem:$0x0];
	_ =	sdelay $0x2  }
0xb8: {  	s31 =	sshll.u32 s1, $0xD;
	s1 =	sshrl.u32 s1, $0x2  }
0xb9: {  	s3 =	sand.u32 $0x4000, s31;
	s1 =	sadd.s32 s1, s30  }
0xba: {  	s0 =	sor.u32 s3, s0;
	s1 =	sshll.u32 s1, $0x11  }
0xbb: {  	s0 =	sor.u32 s1, s0  }
0xbc: {  	s0 =	sadd.s32 $0x8F2B, s0  }
0xbd: {  	[sflag:s0] =	ssyncadd.remote.s32 $0x1  }
0xbe: {  	_ =	sfence.sel $0xFFFF  }
0xbf: {  	[dreg:$0x0] =	wrdreg $0xFFFFFFFF;
	(pc) =	sbr.abs _section_cstart, $3  }
0xc0: {  	[dreg:$0x1] =	wrdreg $0xFFFFFFFF  }
0xc1: {  	_ =	task.clear_ibuf [dreg:s6], $0x2FFFF;
	_ =	strace $0x9FFFFFFF  }
0xc2: {  	(tm) =	ssettm $0x7FFFFFFF  }
0xc3: {  	_ =	shalt  }
tec
execute0_lowered:
.L_overlay_start_1:
0x0: {  	(tag) =	ssettag $0x1  }
0x1: {  	s1 =	srdreg.scid  }
0x2: {  	s0 =	stileid.u32;
	s5 =	rddreg [dreg:$0x0]  }
0x3: {  	s2 =	rddreg [dreg:$0x1];
	s3 =	simm.s32 $0x0;
	s12 =	simm.s32 $0x2800  }
0x4: {  	s13 =	simm.s32 $0x80;
	s14 =	simm.s32 $0x0;
	s4 =	sand.u32 $0x1, s1  }
0x5: {  	s28 =	sshll.u32 s0, $0x1;
	s7 =	smul.u32 $0x2800, s0;
	[smem:$0x7FF] =	sst s3  }
0x6: {  	s31 =	sshll.u32 s0, $0x6;
	s1 =	sor.u32 s4, s28;
	s8 =	smul.u32 $0x28000, s4  }
0x7: {  	s10 =	ssub.s32 $0x2, s4;
	s4 =	sadd.s32 $0x11600, s5;
	s6 =	smul.u32 $0x500, s1  }
0x8: {  	s1 =	rddreg [dreg:$0x2];
	_ =	strace $0x80000047;
	s29 =	sshrl.u32 s7, $0x3  }
0x9: {  	s11 =	sshrl.u32 s10, $0x1;
	s30 =	sadd.s32 s7, s2;
	s8 =	sadd.s32 s7, s8  }
0xa: {  	s10 =	ssub.s32 s10, s11;
	s11 =	simm.s32 $0x1;
	s8 =	sshrl.u32 s8, $0x3  }
0xb: {  	s9 =	sadd.s32 s6, s5;
	s6 =	sadd.s32 s29, s5;
	s8 =	sadd.s32 s8, s5  }
0xc: {  	s5 =	sadd.s32 $0xC600, s6;
	s6 =	sor.u32 $0x1C01, s31;
	s7 =	sadd.s32 $0x2600, s9  }
0xd: {  	s9 =	smax.u32 s10, $0x1;
	s10 =	sshrl.u32 s30, $0x3;
	s8 =	sadd.s32 $0x11800, s8  }
.LBB2_1:
0xe: {  	[spmem:s10], [sflag:s6] =	dma.local [hbm:s5], $0x500  }
0xf: {  	_ =	swait.ge [sflag:s11], $0x500  }
0x10: {  	[sflag:s11] =	ssyncset.done $0x0  }
0x11: {  	[sflag:s11] =	ssyncadd.s32 $0xFFFFFB00  }
0x12: {  	[tilespmem:s12], [sflag:$0x1] =	stream.linear.gather [hbm4b:s4+s3], $0x800, $0x38;
	[tilespmem:$0x5800] =	vst v63  }
0x13: {  	_ =	swait.ge [sflag:s11], $0x800  }
0x14: {  	[sflag:s11] =	ssyncset.done $0x0  }
0x15: {  	[sflag:s11] =	ssyncadd.s32 $0xFFFFF800  }
0x16: {  	[tilespmem:s3], [sflag:$0x1] =	stream.linear.gather [hbm4b:s7+s3], $0x2800, $0x38;
	[tilespmem:$0x5800] =	vst v63  }
0x17: {  	_ =	swait.ge [sflag:s11], $0x2800  }
0x18: {  	[sflag:s11] =	ssyncset.done $0x0  }
0x19: {  	[sflag:s11] =	ssyncadd.s32 $0xFFFFD800  }
0x1a: {  	s15 =	simm.s32 $0x0;
	[bflag:$0x0] =	sbarrier.arrive $0xFFFF  }
0x1b: {  	[spmem:s2] =	stream.indirect.scatter.add.f32 [tilespmem:s12], [sflag:$0x1], $0x10, s15, s13, $0xb8;
	[tilespmem:$0x5800] =	vst v63  }
0x1c: {  	_ =	swait.ge [sflag:s11], $0x800  }
0x1d: {  	s15 =	simm.s32 $0x200;
	[sflag:s11] =	ssyncset.done $0x0  }
.LBB2_2:
0x1e: {  	s16 =	sshra.s32 s15, $0x2;
	[sflag:s11] =	ssyncadd.s32 $0xFFFFF800;
	p0 =	sne.s32 s15, $0x9E00  }
0x1f: {  	[spmem:s2] =	stream.indirect.scatter.add.f32 [tilespmem:s12], [sflag:$0x1], $0x10, s16, s13, $0xb8;
	[tilespmem:$0x5800] =	vst v63  }
.Ltmp0:
0x20: {  	_ = 	snop;
	(pc) =	sbr.rel @p0 .LBB2_2-.Ltmp0, $4  }
0x21: {  	_ = 	snop  }
0x22: {  	s15 =	sadd.s32 $0x200, s15  }
0x23: {  	_ =	swait.ge [sflag:s11], $0x800  }
0x24: {  	[sflag:s11] =	ssyncset.done $0x0  }
0x25: {  	s14 =	sadd.s32 $0x1, s14  }
0x26: {  	[sflag:s11] =	ssyncadd.s32 $0xFFFFF800;
	p0 =	sne.s32 s14, s9  }
.Ltmp1:
0x27: {  	[bflag:$0x0] =	sbarrier.arrive $0xFFFF;
	(pc) =	sbr.rel @p0 .LBB2_1-.Ltmp1, $4  }
0x28: {  	[hbm:s8], [sflag:s6] =	dma.local [spmem:s10], $0x500  }
0x29: {  	_ =	swait.ge [sflag:s11], $0x500  }
0x2a: {  	[sflag:s11] =	ssyncset.done $0x0  }
0x2b: {  	[sflag:s11] =	ssyncadd.s32 $0xFFFFFB00  }
0x2c: {  	_ =	sfence.sel $0x180000  }
0x2d: {  	[bflag:$0x0] =	sbarrier.arrive $0xFFFF  }
0x2e: {  	p0 =	sne.s32 s0, $0x0;
	_ =	strace $0x90000047  }
0x2f: {  	s0 =	sadd.s32 @!p0 $0x100000, s1;
	[bflag:$0x2] =	sbarrier.arrive $0xFFFF  }
0x30: {  	[sflag:s0] =	ssyncadd.tile.s32 @!p0 $0x1;
	_ =	shalt  }
.Lfunc_end2:
_tile_overlayer_lowered:
.L_overlay_start_2:
0x31: {  	(tag) =	ssettag $0x2  }
0x32: {  	s0 =	rddreg [dreg:$0x0];
	s2 =	stileid.u32  }
0x33: {  	s1 =	rddreg [dreg:$0x1];
	p0 =	sne.s32 s2, $0x0  }
0x34: {  	s3 =	rddreg [dreg:$0x2];
	[bflag:$0x3] =	sbarrier.arrive $0xFFFF;
	s2 =	simm.s32 @!p0 $0x1C01  }
0x35: {  	[timem:s3], [sflag:s2] =	dma.local @!p0 [hbm:s0], s1  }
0x36: {  	s0 =	simm.s32 @!p0 $0x1  }
0x37: {  	_ =	swait.ge @!p0 [sflag:s0], s1  }
0x38: {  	s1 =	ssub.s32 @!p0 $0x0, s1;
	[sflag:s0] =	ssyncset.done @!p0 $0x0  }
0x39: {  	[sflag:s0] =	ssyncadd.s32 @!p0 s1  }
0x3a: {  	[bflag:$0x3] =	sbarrier.arrive $0xFFFF  }
0x3b: {  	_ =	shalt  }

// kernel: kernel.13.cloned.1.call-start
scs
__scs_entry_jumppad:
0x0: {  	(pc) =	sbr.rel $0x88, $3  }
0x1: {  	(tag) =	ssettag $0x0;
	lr =	simm.s32 $0x1  }
0x2: {  	[smem:$0x3F96] =	sst lr;
	_ =	strace $0xD0000000  }
0x3: {  	_ = 	snop  }
0x4: {  	_ = 	snop  }
0x5: {  	_ = 	snop  }
0x6: {  	_ = 	snop  }
0x7: {  	_ = 	snop  }
__scs_overlays_trampoline_lowered:
0x8: {  	[smem:$0x3FA5] =	sst s0  }
0x9: {  	[smem:$0x3FA6] =	sst s1  }
0xa: {  	[smem:$0x3FA7] =	sst s2  }
0xb: {  	[smem:$0x3FA8] =	sst s3  }
0xc: {  	[smem:$0x3FA9] =	sst s4  }
0xd: {  	[smem:$0x3FAA] =	sst s5  }
0xe: {  	[smem:$0x3FAB] =	sst s6  }
0xf: {  	[smem:$0x3FAC] =	sst s7  }
0x10: {  	[smem:$0x3FAD] =	sst s8  }
0x11: {  	[smem:$0x3FAE] =	sst s9;
	s0 =	simm.s32 @!p0 $0x0  }
0x12: {  	s1 =	sld [smem:$0x3F94];
	s0 =	simm.s32 @p0 $0x1  }
0x13: {  	[smem:$0x3FAF] =	sst s0;
	s0 =	simm.s32 @!p1 $0x0  }
0x14: {  	s2 =	sld [smem:$0x3F93];
	s0 =	simm.s32 @p1 $0x1  }
0x15: {  	[smem:$0x3FB0] =	sst s0;
	s0 =	simm.s32 @!p2 $0x0  }
0x16: {  	s3 =	sld [smem:$0x3FDB];
	s0 =	simm.s32 @p2 $0x1  }
0x17: {  	s4 =	simm.s32 $0x1BF5;
	[smem:$0x3FB2] =	sst s0  }
0x18: {  	s0 =	sld [smem:$0x3F95];
	_ =	swait.ge [sflag:s4], $0x0  }
0x19: {  	s7 =	sld [smem:$0x3F96]  }
0x1a: {  	s8 =	sadd.s32 $0xFFFFE003, lr  }
0x1b: {  	s9 =	sadd.s32 $0xFFFFFEF7, lr;
	s5 =	simm.s32 $0xFFFFFFFF;
	p2 =	slt.u32 s8, $0xFFFFF086  }
0x1c: {  	p1 =	slt.u32 s9, $0xF7A;
	s5 =	simm.s32 @!p2 $0x0  }
0x1d: {  	s5 =	simm.s32 @p1 $0x1;
	p0 =	seq.s32 s7, s2  }
0x1e: {  	s7 =	smul.u32 @!p0 $0xF7A, s2;
	p2 =	seq.s32 @!p0 s5, $0x0  }
0x1f: {  	s9 =	smul.u32 $0xF7A, s1;
	s8 =	simm.s32 @!p0 $0x1BF5;
	p2 =	por !p2, p0  }
0x20: {  	[sflag:s8] =	ssyncset.s32 @!p0 $0xFFFFF086;
	s6 =	sadd.s32 @!p0 s3, s7;
	s7 =	simm.s32 @!p0 $0x108  }
0x21: {  	s3 =	sadd.s32 s3, s9;
	s6 =	sadd.s32 @!p0 $0x88, s6;
	s7 =	simm.s32 @p2 $0x1082  }
0x22: {  	[simem:s7], [sflag:s8] =	dma.local @!p0 [hbm:s6], $0xF7A  }
0x23: {  	s9 =	sor.u32 $0xD0000000, s2;
	s6 =	simm.s32 $0x108;
	_ =	swait.ge @!p0 [sflag:s8], $0x0  }
0x24: {  	s3 =	sadd.s32 $0x88, s3;
	s6 =	simm.s32 @!p1 $0x1082;
	[sflag:s4] =	ssyncset.s32 $0xFFFFF086  }
0x25: {  	[simem:s6], [sflag:s4] =	dma.local [hbm:s3], $0xF7A  }
0x26: {  	[smem:$0x3F96] =	sst s1;
	(tag) =	ssettag s2;
	_ =	strace s9  }
0x27: {  	s1 =	sld [smem:$0x3FA6]  }
0x28: {  	s2 =	sld [smem:$0x3FA7]  }
0x29: {  	s4 =	sld [smem:$0x3FA9]  }
0x2a: {  	p0 =	seq.s32 s5, $0x0;
	s5 =	sld [smem:$0x3FAA]  }
0x2b: {  	s6 =	sld [smem:$0x3FAB]  }
0x2c: {  	s7 =	sld [smem:$0x3FAC]  }
0x2d: {  	s3 =	simm.s32 $0x108;
	s8 =	sld [smem:$0x3FAD]  }
0x2e: {  	s3 =	simm.s32 @!p0 $0x1082;
	s9 =	sld [smem:$0x3FAE]  }
0x2f: {  	lr =	sadd.s32 s0, s3;
	s0 =	sld [smem:$0x3FA5]  }
0x30: {  	s3 =	sld [smem:$0x3FA8]  }
0x31: {  	[smem:$0x3FB1] =	sst s10  }
0x32: {  	s10 =	sld [smem:$0x3FAF];
	_ =	sdelay $0x3  }
0x33: {  	p0 =	seq.s32 s10, $0x1;
	s10 =	sld [smem:$0x3FB1];
	_ =	sdelay $0x3  }
0x34: {  	[smem:$0x3FB1] =	sst s10  }
0x35: {  	s10 =	sld [smem:$0x3FB0];
	_ =	sdelay $0x3  }
0x36: {  	p1 =	seq.s32 s10, $0x1;
	s10 =	sld [smem:$0x3FB1];
	_ =	sdelay $0x3  }
0x37: {  	[smem:$0x3FB1] =	sst s10  }
0x38: {  	s10 =	sld [smem:$0x3FB2]  }
0x39: {  	_ = 	snop;
	(pc) =	sbr.ind lr, $3  }
0x3a: {  	_ = 	snop  }
0x3b: {  	_ = 	snop  }
0x3c: {  	p2 =	seq.s32 s10, $0x1;
	s10 =	sld [smem:$0x3FB1]  }
0x3d: {  	_ =	shalt  }
0x3e: {  	_ =	shalt  }
0x3f: {  	_ =	shalt  }
0x40: {  	_ =	shalt  }
0x41: {  	_ =	shalt  }
0x42: {  	_ =	shalt  }
0x43: {  	_ =	shalt  }
0x44: {  	_ =	shalt  }
0x45: {  	_ =	shalt  }
0x46: {  	_ =	shalt  }
0x47: {  	_ =	shalt  }
0x48: {  	_ =	shalt  }
0x49: {  	_ =	shalt  }
0x4a: {  	_ =	shalt  }
0x4b: {  	_ =	shalt  }
0x4c: {  	_ =	shalt  }
0x4d: {  	_ =	shalt  }
0x4e: {  	_ =	shalt  }
0x4f: {  	_ =	shalt  }
0x50: {  	_ =	shalt  }
0x51: {  	_ =	shalt  }
0x52: {  	_ =	shalt  }
0x53: {  	_ =	shalt  }
0x54: {  	_ =	shalt  }
0x55: {  	_ =	shalt  }
0x56: {  	_ =	shalt  }
0x57: {  	_ =	shalt  }
0x58: {  	_ =	shalt  }
0x59: {  	_ =	shalt  }
0x5a: {  	_ =	shalt  }
0x5b: {  	_ =	shalt  }
0x5c: {  	_ =	shalt  }
0x5d: {  	_ =	shalt  }
0x5e: {  	_ =	shalt  }
0x5f: {  	_ =	shalt  }
0x60: {  	_ =	shalt  }
0x61: {  	_ =	shalt  }
0x62: {  	_ =	shalt  }
0x63: {  	_ =	shalt  }
0x64: {  	_ =	shalt  }
0x65: {  	_ =	shalt  }
0x66: {  	_ =	shalt  }
0x67: {  	_ =	shalt  }
0x68: {  	_ =	shalt  }
0x69: {  	_ =	shalt  }
0x6a: {  	_ =	shalt  }
0x6b: {  	_ =	shalt  }
0x6c: {  	_ =	shalt  }
0x6d: {  	_ =	shalt  }
0x6e: {  	_ =	shalt  }
0x6f: {  	_ =	shalt  }
0x70: {  	_ =	shalt  }
0x71: {  	_ =	shalt  }
0x72: {  	_ =	shalt  }
0x73: {  	_ =	shalt  }
0x74: {  	_ =	shalt  }
0x75: {  	_ =	shalt  }
0x76: {  	_ =	shalt  }
0x77: {  	_ =	shalt  }
0x78: {  	_ =	shalt  }
0x79: {  	_ =	shalt  }
0x7a: {  	_ =	shalt  }
0x7b: {  	_ =	shalt  }
0x7c: {  	_ =	shalt  }
0x7d: {  	_ =	shalt  }
0x7e: {  	_ =	shalt  }
0x7f: {  	_ =	shalt  }
0x80: {  	_ =	shalt  }
0x81: {  	_ =	shalt  }
0x82: {  	_ =	shalt  }
0x83: {  	_ =	shalt  }
0x84: {  	_ =	shalt  }
0x85: {  	_ =	shalt  }
0x86: {  	_ =	shalt  }
0x87: {  	_ =	shalt  }
.Lfunc_end0:
.L_simem_size_0:
called_computation.1_lowered:
.L_overlay_start_0:
0x88: {  	s2 =	sld [smem:$0x3FD9]  }
0x89: {  	s3 =	sld [smem:$0x3FFE];
	_ =	sdelay $0x1  }
0x8a: {  	s1 =	srdreg.scid  }
0x8b: {  	s0 =	sand.u32 $0x1, s1  }
0x8c: {  	s16 =	sshll.u32 s0, $0xA;
	s2 =	sadd.s32 s3, s2  }
0x8d: {  	s2 =	sadd.s32 s2, s16  }
0x8e: {  	[smem:$0x3FBD] =	sst s2  }
0x8f: {  	_ = 	snop  }
0x90: {  	(tm) =	ssettm $0x1  }
0x91: {  	s17 =	sld [smem:$0x3FFB];
	_ =	sdelay $0x3  }
0x92: {  	_ =	strace s17  }
0x93: {  	s2 =	sld [smem:$0x3FFC];
	_ =	sdelay $0x3  }
0x94: {  	_ =	strace s2  }
0x95: {  	s2 =	sld [smem:$0x3FFD];
	_ =	sdelay $0x3  }
0x96: {  	_ =	strace s2  }
0x97: {  	_ =	strace $0x8FFFFFFF  }
0x98: {  	s18 =	sld [smem:$0x3FDB];
	_ =	sdelay $0x1  }
0x99: {  	s19 =	simm.s32 $_scs_section_size  }
0x9a: {  	s4 =	simm.s32 $_size__tile_overlayer_lowered;
	s5 =	simm.s32 $_tile_overlayer_lowered  }
0x9b: {  	s22 =	simm.s32 $0x1BFF;
	s21 =	sshll.u32 s5, $0x1;
	s2 =	sadd.s32 s19, s18  }
0x9c: {  	s6 =	simm.s32 $0x0;
	s20 =	sshll.u32 s4, $0x1;
	s4 =	sadd.s32 s21, s2  }
0x9d: {  	[timem:s6], [sflag:s22] =	dma.local [hbm:s4], s20  }
0x9e: {  	_ =	swait.ge [sflag:s22], s20  }
0x9f: {  	s3 =	ssub.s32 $0x0, s20;
	[sflag:s22] =	ssyncset.done $0x0  }
0xa0: {  	[sflag:s22] =	ssyncadd.s32 s3;
	_ =	sdelay $0x1  }
0xa1: {  	s23 =	simm.s32 $0x1B8B  }
0xa2: {  	_ =	swait.ge [sflag:s23], $0x1  }
0xa3: {  	[sflag:s23] =	ssyncset.done $0x0  }
0xa4: {  	s25 =	simm.s32 $0x1B8E;
	s24 =	sld [smem:$0x3FFE];
	[sflag:s23] =	ssyncadd.s32 $0xFFFFFFFF  }
0xa5: {  	s26 =	simm.s32 $execute0_lowered;
	[smem:$0x3FD2] =	sst s25  }
0xa6: {  	s4 =	sshll.u32 s26, $0x1;
	_ =	strace $0x80000049;
	[dreg:$0x1] =	wrdreg $0xFFFFFFFF  }
0xa7: {  	s28 =	simm.s32 $_size_execute0_lowered;
	s2 =	sadd.s32 s2, s4;
	[dreg:$0x0] =	wrdreg $0x0  }
0xa8: {  	s4 =	sshll.u32 s28, $0x1;
	[dreg:$0x2] =	wrdreg s2  }
0xa9: {  	[dreg:$0x3] =	wrdreg s4  }
0xaa: {  	[dreg:$0x4] =	wrdreg $0xC0  }
0xab: {  	_ =	task [dreg:s6], $0x5FFFF  }
0xac: {  	[dreg:$0x1] =	wrdreg $0xFFFFFFFF  }
0xad: {  	[dreg:$0x0] =	wrdreg $0x60  }
0xae: {  	[dreg:$0x2] =	wrdreg s24  }
0xaf: {  	[dreg:$0x3] =	wrdreg $0x70000  }
0xb0: {  	[dreg:$0x4] =	wrdreg $0x9  }
0xb1: {  	_ =	task.clear_ibuf [dreg:s6], $0x5FFFF;
	_ =	strace $0x90000049  }
0xb2: {  	s29 =	simm.s32 $0x9;
	_ =	strace $0x8000004B  }
0xb3: {  	_ =	swait.ge [sflag:s29], $0x1  }
0xb4: {  	[sflag:s29] =	ssyncadd.s32 $0xFFFFFFFF  }
0xb5: {  	_ =	strace $0x9000004B  }
0xb6: {  	_ =	sfence  }
0xb7: {  	s30 =	sld [smem:$0x0];
	_ =	sdelay $0x2  }
0xb8: {  	s31 =	sshll.u32 s1, $0xD;
	s1 =	sshrl.u32 s1, $0x2  }
0xb9: {  	s3 =	sand.u32 $0x4000, s31;
	s1 =	sadd.s32 s1, s30  }
0xba: {  	s0 =	sor.u32 s3, s0;
	s1 =	sshll.u32 s1, $0x11  }
0xbb: {  	s0 =	sor.u32 s1, s0  }
0xbc: {  	s0 =	sadd.s32 $0x8F2B, s0  }
0xbd: {  	[sflag:s0] =	ssyncadd.remote.s32 $0x1  }
0xbe: {  	_ =	sfence.sel $0xFFFF  }
0xbf: {  	[dreg:$0x0] =	wrdreg $0xFFFFFFFF;
	(pc) =	sbr.abs _section_cstart, $3  }
0xc0: {  	[dreg:$0x1] =	wrdreg $0xFFFFFFFF  }
0xc1: {  	_ =	task.clear_ibuf [dreg:s6], $0x2FFFF;
	_ =	strace $0x9FFFFFFF  }
0xc2: {  	(tm) =	ssettm $0x7FFFFFFF  }
0xc3: {  	_ =	shalt  }
tec
execute0_lowered:
.L_overlay_start_1:
0x0: {  	(tag) =	ssettag $0x1  }
0x1: {  	s1 =	srdreg.scid  }
0x2: {  	s0 =	stileid.u32;
	s6 =	rddreg [dreg:$0x0]  }
0x3: {  	s2 =	rddreg [dreg:$0x1];
	s3 =	simm.s32 $0x0;
	s14 =	simm.s32 $0x80  }
0x4: {  	s15 =	simm.s32 $0x5000;
	s16 =	simm.s32 $0x1;
	s17 =	simm.s32 $0x0  }
0x5: {  	s5 =	sand.u32 $0x1, s1;
	s28 =	sshll.u32 s0, $0x1;
	s8 =	smul.u32 $0xA000, s0  }
0x6: {  	[smem:$0x7FF] =	sst s3;
	s4 =	sadd.s32 $0x75800, s6;
	s31 =	sshll.u32 s0, $0x6  }
0x7: {  	s1 =	sor.u32 s5, s28;
	s9 =	smul.u32 $0xA0000, s5;
	s5 =	ssub.s32 $0x2, s5  }
0x8: {  	s7 =	smul.u32 $0x500, s1;
	s1 =	rddreg [dreg:$0x2];
	_ =	strace $0x8000004A  }
0x9: {  	s30 =	sshrl.u32 s8, $0x3;
	s11 =	sshrl.u32 s5, $0x1;
	s13 =	sadd.s32 s8, s2  }
0xa: {  	s29 =	sadd.s32 s8, s9;
	s9 =	sadd.s32 s30, s6;
	s11 =	ssub.s32 s5, s11  }
0xb: {  	s10 =	sadd.s32 s7, s6;
	s7 =	sshrl.u32 s29, $0x3;
	s5 =	sadd.s32 $0x89800, s9  }
0xc: {  	s12 =	sadd.s32 s7, s6;
	s6 =	sor.u32 $0x1C02, s31;
	s7 =	sadd.s32 $0x1B800, s10  }
0xd: {  	s8 =	sadd.s32 $0x2600, s10;
	s10 =	smax.u32 s11, $0x1;
	s11 =	sshrl.u32 s13, $0x3  }
0xe: {  	s13 =	simm.s32 $0x2800;
	s9 =	sadd.s32 $0x9D800, s12;
	s12 =	simm.s32 $0x2  }
.LBB2_1:
0xf: {  	[spmem:s11], [sflag:s6] =	dma.local [hbm:s5], $0x1400  }
0x10: {  	_ =	swait.ge [sflag:s12], $0x1400  }
0x11: {  	[sflag:s12] =	ssyncset.done $0x0  }
0x12: {  	[sflag:s12] =	ssyncadd.s32 $0xFFFFEC00  }
0x13: {  	[tilespmem:s3], [sflag:$0x2] =	stream.linear.gather [hbm4b:s7+s3], $0x2800, $0x38;
	[tilespmem:$0x11000] =	vst v63  }
0x14: {  	_ =	swait.ge [sflag:s12], $0x2800  }
0x15: {  	[sflag:s12] =	ssyncset.done $0x0  }
0x16: {  	[sflag:s12] =	ssyncadd.s32 $0xFFFFD800  }
0x17: {  	[tilespmem:s13], [sflag:$0x2] =	stream.linear.gather [hbm4b:s8+s3], $0x2800, $0x38;
	[tilespmem:$0x11000] =	vst v63  }
0x18: {  	_ =	swait.ge [sflag:s12], $0x2800  }
0x19: {  	[sflag:s12] =	ssyncset.done $0x0  }
0x1a: {  	[sflag:s12] =	ssyncadd.s32 $0xFFFFD800  }
0x1b: {  	s18 =	simm.s32 $0x0;
	[bflag:$0x0] =	sbarrier.arrive $0xFFFF  }
0x1c: {  	[tilespmem:s15], [sflag:$0x1] =	stream.indirect.gather [hbm4b:s4+s14], $0x40, s18, s14, $0xb8;
	[tilespmem:$0x11000] =	vst v63  }
0x1d: {  	_ =	swait.ge [sflag:s16], $0x2000  }
0x1e: {  	[sflag:s16] =	ssyncset.done $0x0  }
0x1f: {  	s31 =	simm.s32 $0x2800;
	[sflag:s16] =	ssyncadd.s32 $0xFFFFE000  }
0x20: {  	[spmem:s2] =	stream.indirect.scatter.add.f32 [tilespmem:s15], [sflag:$0x2], $0x40, s31, s14, $0xb8;
	[tilespmem:$0x11000] =	vst v63  }
0x21: {  	_ =	swait.ge [sflag:s12], $0x2000  }
0x22: {  	s19 =	simm.s32 $0x400;
	s18 =	simm.s32 $0x200;
	[sflag:s12] =	ssyncset.done $0x0  }
.LBB2_2:
0x23: {  	s20 =	sshra.s32 s18, $0x2  }
0x24: {  	[sflag:s12] =	ssyncadd.s32 $0xFFFFE000;
	s18 =	smov.u32 s19;
	s21 =	sadd.s32 $0x200, s19  }
0x25: {  	[tilespmem:s15], [sflag:$0x1] =	stream.indirect.gather [hbm4b:s4+s14], $0x40, s20, s14, $0xb8;
	[tilespmem:$0x11000] =	vst v63  }
0x26: {  	p0 =	sne.s32 s19, $0x9E00;
	_ =	swait.ge [sflag:s16], $0x2000  }
.Ltmp0:
0x27: {  	[sflag:s16] =	ssyncset.done $0x0;
	(pc) =	sbr.rel @p0 .LBB2_2-.Ltmp0, $4  }
0x28: {  	s19 =	sadd.s32 $0x2800, s20;
	[sflag:s16] =	ssyncadd.s32 $0xFFFFE000  }
0x29: {  	[spmem:s2] =	stream.indirect.scatter.add.f32 [tilespmem:s15], [sflag:$0x2], $0x40, s19, s14, $0xb8;
	[tilespmem:$0x11000] =	vst v63  }
0x2a: {  	_ =	swait.ge [sflag:s12], $0x2000  }
0x2b: {  	s19 =	smov.u32 s21;
	[sflag:s12] =	ssyncset.done $0x0  }
0x2c: {  	s18 =	sshra.s32 s18, $0x2;
	[sflag:s12] =	ssyncadd.s32 $0xFFFFE000  }
0x2d: {  	[tilespmem:s15], [sflag:$0x1] =	stream.indirect.gather [hbm4b:s4+s14], $0x40, s18, s14, $0xb8;
	[tilespmem:$0x11000] =	vst v63  }
0x2e: {  	_ =	swait.ge [sflag:s16], $0x2000  }
0x2f: {  	[sflag:s16] =	ssyncset.done $0x0  }
0x30: {  	s18 =	sadd.s32 $0x2800, s18;
	[sflag:s16] =	ssyncadd.s32 $0xFFFFE000  }
0x31: {  	[spmem:s2] =	stream.indirect.scatter.add.f32 [tilespmem:s15], [sflag:$0x2], $0x40, s18, s14, $0xb8;
	[tilespmem:$0x11000] =	vst v63  }
0x32: {  	_ =	swait.ge [sflag:s12], $0x2000  }
0x33: {  	s17 =	sadd.s32 $0x1, s17;
	[sflag:s12] =	ssyncset.done $0x0  }
0x34: {  	p0 =	sne.s32 s17, s10;
	[sflag:s12] =	ssyncadd.s32 $0xFFFFE000  }
.Ltmp1:
0x35: {  	[bflag:$0x0] =	sbarrier.arrive $0xFFFF;
	(pc) =	sbr.rel @p0 .LBB2_1-.Ltmp1, $4  }
0x36: {  	[hbm:s9], [sflag:s6] =	dma.local [spmem:s11], $0x1400  }
0x37: {  	_ =	swait.ge [sflag:s12], $0x1400  }
0x38: {  	[sflag:s12] =	ssyncset.done $0x0  }
0x39: {  	[sflag:s12] =	ssyncadd.s32 $0xFFFFEC00  }
0x3a: {  	_ =	sfence.sel $0x180000  }
0x3b: {  	[bflag:$0x0] =	sbarrier.arrive $0xFFFF  }
0x3c: {  	p0 =	sne.s32 s0, $0x0;
	_ =	strace $0x9000004A  }
0x3d: {  	s0 =	sadd.s32 @!p0 $0x100000, s1;
	[bflag:$0x2] =	sbarrier.arrive $0xFFFF  }
0x3e: {  	[sflag:s0] =	ssyncadd.tile.s32 @!p0 $0x1;
	_ =	shalt  }
.Lfunc_end2:
_tile_overlayer_lowered:
.L_overlay_start_2:
0x3f: {  	(tag) =	ssettag $0x2  }
0x40: {  	s0 =	rddreg [dreg:$0x0];
	s2 =	stileid.u32  }
0x41: {  	s1 =	rddreg [dreg:$0x1];
	p0 =	sne.s32 s2, $0x0  }
0x42: {  	s3 =	rddreg [dreg:$0x2];
	[bflag:$0x3] =	sbarrier.arrive $0xFFFF;
	s2 =	simm.s32 @!p0 $0x1C02  }
0x43: {  	[timem:s3], [sflag:s2] =	dma.local @!p0 [hbm:s0], s1  }
0x44: {  	s0 =	simm.s32 @!p0 $0x2  }
0x45: {  	_ =	swait.ge @!p0 [sflag:s0], s1  }
0x46: {  	s1 =	ssub.s32 @!p0 $0x0, s1;
	[sflag:s0] =	ssyncset.done @!p0 $0x0  }
0x47: {  	[sflag:s0] =	ssyncadd.s32 @!p0 s1  }
0x48: {  	[bflag:$0x3] =	sbarrier.arrive $0xFFFF  }
0x49: {  	_ =	shalt  }

// kernel: kernel.16.cloned.1.call-start
scs
__scs_entry_jumppad:
0x0: {  	(pc) =	sbr.rel $0x88, $3  }
0x1: {  	(tag) =	ssettag $0x0;
	lr =	simm.s32 $0x1  }
0x2: {  	[smem:$0x3F96] =	sst lr;
	_ =	strace $0xD0000000  }
0x3: {  	_ = 	snop  }
0x4: {  	_ = 	snop  }
0x5: {  	_ = 	snop  }
0x6: {  	_ = 	snop  }
0x7: {  	_ = 	snop  }
__scs_overlays_trampoline_lowered:
0x8: {  	[smem:$0x3FA5] =	sst s0  }
0x9: {  	[smem:$0x3FA6] =	sst s1  }
0xa: {  	[smem:$0x3FA7] =	sst s2  }
0xb: {  	[smem:$0x3FA8] =	sst s3  }
0xc: {  	[smem:$0x3FA9] =	sst s4  }
0xd: {  	[smem:$0x3FAA] =	sst s5  }
0xe: {  	[smem:$0x3FAB] =	sst s6  }
0xf: {  	[smem:$0x3FAC] =	sst s7  }
0x10: {  	[smem:$0x3FAD] =	sst s8  }
0x11: {  	[smem:$0x3FAE] =	sst s9;
	s0 =	simm.s32 @!p0 $0x0  }
0x12: {  	s1 =	sld [smem:$0x3F94];
	s0 =	simm.s32 @p0 $0x1  }
0x13: {  	[smem:$0x3FAF] =	sst s0;
	s0 =	simm.s32 @!p1 $0x0  }
0x14: {  	s2 =	sld [smem:$0x3F93];
	s0 =	simm.s32 @p1 $0x1  }
0x15: {  	[smem:$0x3FB0] =	sst s0;
	s0 =	simm.s32 @!p2 $0x0  }
0x16: {  	s3 =	sld [smem:$0x3FDB];
	s0 =	simm.s32 @p2 $0x1  }
0x17: {  	s4 =	simm.s32 $0x1BF5;
	[smem:$0x3FB2] =	sst s0  }
0x18: {  	s0 =	sld [smem:$0x3F95];
	_ =	swait.ge [sflag:s4], $0x0  }
0x19: {  	s7 =	sld [smem:$0x3F96]  }
0x1a: {  	s8 =	sadd.s32 $0xFFFFE003, lr  }
0x1b: {  	s9 =	sadd.s32 $0xFFFFFEF7, lr;
	s5 =	simm.s32 $0xFFFFFFFF;
	p2 =	slt.u32 s8, $0xFFFFF086  }
0x1c: {  	p1 =	slt.u32 s9, $0xF7A;
	s5 =	simm.s32 @!p2 $0x0  }
0x1d: {  	s5 =	simm.s32 @p1 $0x1;
	p0 =	seq.s32 s7, s2  }
0x1e: {  	s7 =	smul.u32 @!p0 $0xF7A, s2;
	p2 =	seq.s32 @!p0 s5, $0x0  }
0x1f: {  	s9 =	smul.u32 $0xF7A, s1;
	s8 =	simm.s32 @!p0 $0x1BF5;
	p2 =	por !p2, p0  }
0x20: {  	[sflag:s8] =	ssyncset.s32 @!p0 $0xFFFFF086;
	s6 =	sadd.s32 @!p0 s3, s7;
	s7 =	simm.s32 @!p0 $0x108  }
0x21: {  	s3 =	sadd.s32 s3, s9;
	s6 =	sadd.s32 @!p0 $0x88, s6;
	s7 =	simm.s32 @p2 $0x1082  }
0x22: {  	[simem:s7], [sflag:s8] =	dma.local @!p0 [hbm:s6], $0xF7A  }
0x23: {  	s9 =	sor.u32 $0xD0000000, s2;
	s6 =	simm.s32 $0x108;
	_ =	swait.ge @!p0 [sflag:s8], $0x0  }
0x24: {  	s3 =	sadd.s32 $0x88, s3;
	s6 =	simm.s32 @!p1 $0x1082;
	[sflag:s4] =	ssyncset.s32 $0xFFFFF086  }
0x25: {  	[simem:s6], [sflag:s4] =	dma.local [hbm:s3], $0xF7A  }
0x26: {  	[smem:$0x3F96] =	sst s1;
	(tag) =	ssettag s2;
	_ =	strace s9  }
0x27: {  	s1 =	sld [smem:$0x3FA6]  }
0x28: {  	s2 =	sld [smem:$0x3FA7]  }
0x29: {  	s4 =	sld [smem:$0x3FA9]  }
0x2a: {  	p0 =	seq.s32 s5, $0x0;
	s5 =	sld [smem:$0x3FAA]  }
0x2b: {  	s6 =	sld [smem:$0x3FAB]  }
0x2c: {  	s7 =	sld [smem:$0x3FAC]  }
0x2d: {  	s3 =	simm.s32 $0x108;
	s8 =	sld [smem:$0x3FAD]  }
0x2e: {  	s3 =	simm.s32 @!p0 $0x1082;
	s9 =	sld [smem:$0x3FAE]  }
0x2f: {  	lr =	sadd.s32 s0, s3;
	s0 =	sld [smem:$0x3FA5]  }
0x30: {  	s3 =	sld [smem:$0x3FA8]  }
0x31: {  	[smem:$0x3FB1] =	sst s10  }
0x32: {  	s10 =	sld [smem:$0x3FAF];
	_ =	sdelay $0x3  }
0x33: {  	p0 =	seq.s32 s10, $0x1;
	s10 =	sld [smem:$0x3FB1];
	_ =	sdelay $0x3  }
0x34: {  	[smem:$0x3FB1] =	sst s10  }
0x35: {  	s10 =	sld [smem:$0x3FB0];
	_ =	sdelay $0x3  }
0x36: {  	p1 =	seq.s32 s10, $0x1;
	s10 =	sld [smem:$0x3FB1];
	_ =	sdelay $0x3  }
0x37: {  	[smem:$0x3FB1] =	sst s10  }
0x38: {  	s10 =	sld [smem:$0x3FB2]  }
0x39: {  	_ = 	snop;
	(pc) =	sbr.ind lr, $3  }
0x3a: {  	_ = 	snop  }
0x3b: {  	_ = 	snop  }
0x3c: {  	p2 =	seq.s32 s10, $0x1;
	s10 =	sld [smem:$0x3FB1]  }
0x3d: {  	_ =	shalt  }
0x3e: {  	_ =	shalt  }
0x3f: {  	_ =	shalt  }
0x40: {  	_ =	shalt  }
0x41: {  	_ =	shalt  }
0x42: {  	_ =	shalt  }
0x43: {  	_ =	shalt  }
0x44: {  	_ =	shalt  }
0x45: {  	_ =	shalt  }
0x46: {  	_ =	shalt  }
0x47: {  	_ =	shalt  }
0x48: {  	_ =	shalt  }
0x49: {  	_ =	shalt  }
0x4a: {  	_ =	shalt  }
0x4b: {  	_ =	shalt  }
0x4c: {  	_ =	shalt  }
0x4d: {  	_ =	shalt  }
0x4e: {  	_ =	shalt  }
0x4f: {  	_ =	shalt  }
0x50: {  	_ =	shalt  }
0x51: {  	_ =	shalt  }
0x52: {  	_ =	shalt  }
0x53: {  	_ =	shalt  }
0x54: {  	_ =	shalt  }
0x55: {  	_ =	shalt  }
0x56: {  	_ =	shalt  }
0x57: {  	_ =	shalt  }
0x58: {  	_ =	shalt  }
0x59: {  	_ =	shalt  }
0x5a: {  	_ =	shalt  }
0x5b: {  	_ =	shalt  }
0x5c: {  	_ =	shalt  }
0x5d: {  	_ =	shalt  }
0x5e: {  	_ =	shalt  }
0x5f: {  	_ =	shalt  }
0x60: {  	_ =	shalt  }
0x61: {  	_ =	shalt  }
0x62: {  	_ =	shalt  }
0x63: {  	_ =	shalt  }
0x64: {  	_ =	shalt  }
0x65: {  	_ =	shalt  }
0x66: {  	_ =	shalt  }
0x67: {  	_ =	shalt  }
0x68: {  	_ =	shalt  }
0x69: {  	_ =	shalt  }
0x6a: {  	_ =	shalt  }
0x6b: {  	_ =	shalt  }
0x6c: {  	_ =	shalt  }
0x6d: {  	_ =	shalt  }
0x6e: {  	_ =	shalt  }
0x6f: {  	_ =	shalt  }
0x70: {  	_ =	shalt  }
0x71: {  	_ =	shalt  }
0x72: {  	_ =	shalt  }
0x73: {  	_ =	shalt  }
0x74: {  	_ =	shalt  }
0x75: {  	_ =	shalt  }
0x76: {  	_ =	shalt  }
0x77: {  	_ =	shalt  }
0x78: {  	_ =	shalt  }
0x79: {  	_ =	shalt  }
0x7a: {  	_ =	shalt  }
0x7b: {  	_ =	shalt  }
0x7c: {  	_ =	shalt  }
0x7d: {  	_ =	shalt  }
0x7e: {  	_ =	shalt  }
0x7f: {  	_ =	shalt  }
0x80: {  	_ =	shalt  }
0x81: {  	_ =	shalt  }
0x82: {  	_ =	shalt  }
0x83: {  	_ =	shalt  }
0x84: {  	_ =	shalt  }
0x85: {  	_ =	shalt  }
0x86: {  	_ =	shalt  }
0x87: {  	_ =	shalt  }
.Lfunc_end0:
.L_simem_size_0:
called_computation.2_lowered:
.L_overlay_start_0:
0x88: {  	s2 =	sld [smem:$0x3FD9]  }
0x89: {  	s3 =	sld [smem:$0x3FFE];
	_ =	sdelay $0x1  }
0x8a: {  	s1 =	srdreg.scid  }
0x8b: {  	s0 =	sand.u32 $0x1, s1  }
0x8c: {  	s16 =	sshll.u32 s0, $0xA;
	s2 =	sadd.s32 s3, s2  }
0x8d: {  	s2 =	sadd.s32 s2, s16  }
0x8e: {  	[smem:$0x3FBD] =	sst s2  }
0x8f: {  	_ = 	snop  }
0x90: {  	(tm) =	ssettm $0x1  }
0x91: {  	s17 =	sld [smem:$0x3FFB];
	_ =	sdelay $0x3  }
0x92: {  	_ =	strace s17  }
0x93: {  	s2 =	sld [smem:$0x3FFC];
	_ =	sdelay $0x3  }
0x94: {  	_ =	strace s2  }
0x95: {  	s2 =	sld [smem:$0x3FFD];
	_ =	sdelay $0x3  }
0x96: {  	_ =	strace s2  }
0x97: {  	_ =	strace $0x8FFFFFFF  }
0x98: {  	s18 =	sld [smem:$0x3FDB];
	_ =	sdelay $0x1  }
0x99: {  	s19 =	simm.s32 $_scs_section_size  }
0x9a: {  	s4 =	simm.s32 $_size__tile_overlayer_lowered;
	s5 =	simm.s32 $_tile_overlayer_lowered  }
0x9b: {  	s22 =	simm.s32 $0x1BFF;
	s21 =	sshll.u32 s5, $0x1;
	s2 =	sadd.s32 s19, s18  }
0x9c: {  	s6 =	simm.s32 $0x0;
	s20 =	sshll.u32 s4, $0x1;
	s4 =	sadd.s32 s21, s2  }
0x9d: {  	[timem:s6], [sflag:s22] =	dma.local [hbm:s4], s20  }
0x9e: {  	_ =	swait.ge [sflag:s22], s20  }
0x9f: {  	s3 =	ssub.s32 $0x0, s20;
	[sflag:s22] =	ssyncset.done $0x0  }
0xa0: {  	[sflag:s22] =	ssyncadd.s32 s3;
	_ =	sdelay $0x1  }
0xa1: {  	s23 =	simm.s32 $0x1B8B  }
0xa2: {  	_ =	swait.ge [sflag:s23], $0x1  }
0xa3: {  	[sflag:s23] =	ssyncset.done $0x0  }
0xa4: {  	s25 =	simm.s32 $0x1B8E;
	s24 =	sld [smem:$0x3FFE];
	[sflag:s23] =	ssyncadd.s32 $0xFFFFFFFF  }
0xa5: {  	s26 =	simm.s32 $execute0_lowered;
	[smem:$0x3FD2] =	sst s25  }
0xa6: {  	s4 =	sshll.u32 s26, $0x1;
	_ =	strace $0x8000004C;
	[dreg:$0x1] =	wrdreg $0xFFFFFFFF  }
0xa7: {  	s28 =	simm.s32 $_size_execute0_lowered;
	s2 =	sadd.s32 s2, s4;
	[dreg:$0x0] =	wrdreg $0x0  }
0xa8: {  	s4 =	sshll.u32 s28, $0x1;
	[dreg:$0x2] =	wrdreg s2  }
0xa9: {  	[dreg:$0x3] =	wrdreg s4  }
0xaa: {  	[dreg:$0x4] =	wrdreg $0xC0  }
0xab: {  	_ =	task [dreg:s6], $0x5FFFF  }
0xac: {  	[dreg:$0x1] =	wrdreg $0xFFFFFFFF  }
0xad: {  	[dreg:$0x0] =	wrdreg $0x60  }
0xae: {  	[dreg:$0x2] =	wrdreg s24  }
0xaf: {  	[dreg:$0x3] =	wrdreg $0x70000  }
0xb0: {  	[dreg:$0x4] =	wrdreg $0x9  }
0xb1: {  	_ =	task.clear_ibuf [dreg:s6], $0x5FFFF;
	_ =	strace $0x9000004C  }
0xb2: {  	s29 =	simm.s32 $0x9;
	_ =	strace $0x8000004E  }
0xb3: {  	_ =	swait.ge [sflag:s29], $0x1  }
0xb4: {  	[sflag:s29] =	ssyncadd.s32 $0xFFFFFFFF  }
0xb5: {  	_ =	strace $0x9000004E  }
0xb6: {  	_ =	sfence  }
0xb7: {  	s30 =	sld [smem:$0x0];
	_ =	sdelay $0x2  }
0xb8: {  	s31 =	sshll.u32 s1, $0xD;
	s1 =	sshrl.u32 s1, $0x2  }
0xb9: {  	s3 =	sand.u32 $0x4000, s31;
	s1 =	sadd.s32 s1, s30  }
0xba: {  	s0 =	sor.u32 s3, s0;
	s1 =	sshll.u32 s1, $0x11  }
0xbb: {  	s0 =	sor.u32 s1, s0  }
0xbc: {  	s0 =	sadd.s32 $0x8F2B, s0  }
0xbd: {  	[sflag:s0] =	ssyncadd.remote.s32 $0x1  }
0xbe: {  	_ =	sfence.sel $0xFFFF  }
0xbf: {  	[dreg:$0x0] =	wrdreg $0xFFFFFFFF;
	(pc) =	sbr.abs _section_cstart, $3  }
0xc0: {  	[dreg:$0x1] =	wrdreg $0xFFFFFFFF  }
0xc1: {  	_ =	task.clear_ibuf [dreg:s6], $0x2FFFF;
	_ =	strace $0x9FFFFFFF  }
0xc2: {  	(tm) =	ssettm $0x7FFFFFFF  }
0xc3: {  	_ =	shalt  }
tec
execute0_lowered:
.L_overlay_start_1:
0x0: {  	(tag) =	ssettag $0x1  }
0x1: {  	s1 =	srdreg.scid  }
0x2: {  	s0 =	stileid.u32;
	s6 =	rddreg [dreg:$0x0]  }
0x3: {  	s2 =	rddreg [dreg:$0x1];
	s3 =	simm.s32 $0x0;
	s14 =	simm.s32 $0x80  }
0x4: {  	s15 =	simm.s32 $0x5000;
	s16 =	simm.s32 $0x1;
	s17 =	simm.s32 $0x0  }
0x5: {  	s5 =	sand.u32 $0x1, s1;
	s28 =	sshll.u32 s0, $0x1;
	s8 =	smul.u32 $0xA000, s0  }
0x6: {  	[smem:$0x7FF] =	sst s3;
	s4 =	sadd.s32 $0x75800, s6;
	s31 =	sshll.u32 s0, $0x6  }
0x7: {  	s1 =	sor.u32 s5, s28;
	s9 =	smul.u32 $0xA0000, s5;
	s5 =	ssub.s32 $0x2, s5  }
0x8: {  	s7 =	smul.u32 $0x500, s1;
	s1 =	rddreg [dreg:$0x2];
	_ =	strace $0x8000004D  }
0x9: {  	s30 =	sshrl.u32 s8, $0x3;
	s11 =	sshrl.u32 s5, $0x1;
	s13 =	sadd.s32 s8, s2  }
0xa: {  	s29 =	sadd.s32 s8, s9;
	s9 =	sadd.s32 s30, s6;
	s11 =	ssub.s32 s5, s11  }
0xb: {  	s10 =	sadd.s32 s7, s6;
	s7 =	sshrl.u32 s29, $0x3;
	s5 =	sadd.s32 $0x89800, s9  }
0xc: {  	s12 =	sadd.s32 s7, s6;
	s6 =	sor.u32 $0x1C02, s31;
	s7 =	sadd.s32 $0x1B800, s10  }
0xd: {  	s8 =	sadd.s32 $0x2600, s10;
	s10 =	smax.u32 s11, $0x1;
	s11 =	sshrl.u32 s13, $0x3  }
0xe: {  	s13 =	simm.s32 $0x2800;
	s9 =	sadd.s32 $0x9D800, s12;
	s12 =	simm.s32 $0x2  }
.LBB2_1:
0xf: {  	[spmem:s11], [sflag:s6] =	dma.local [hbm:s5], $0x1400  }
0x10: {  	_ =	swait.ge [sflag:s12], $0x1400  }
0x11: {  	[sflag:s12] =	ssyncset.done $0x0  }
0x12: {  	[sflag:s12] =	ssyncadd.s32 $0xFFFFEC00  }
0x13: {  	[tilespmem:s3], [sflag:$0x2] =	stream.linear.gather [hbm4b:s7+s3], $0x2800, $0x38;
	[tilespmem:$0x11000] =	vst v63  }
0x14: {  	_ =	swait.ge [sflag:s12], $0x2800  }
0x15: {  	[sflag:s12] =	ssyncset.done $0x0  }
0x16: {  	[sflag:s12] =	ssyncadd.s32 $0xFFFFD800  }
0x17: {  	[tilespmem:s13], [sflag:$0x2] =	stream.linear.gather [hbm4b:s8+s3], $0x2800, $0x38;
	[tilespmem:$0x11000] =	vst v63  }
0x18: {  	_ =	swait.ge [sflag:s12], $0x2800  }
0x19: {  	[sflag:s12] =	ssyncset.done $0x0  }
0x1a: {  	[sflag:s12] =	ssyncadd.s32 $0xFFFFD800  }
0x1b: {  	s18 =	simm.s32 $0x0;
	[bflag:$0x0] =	sbarrier.arrive $0xFFFF  }
0x1c: {  	[tilespmem:s15], [sflag:$0x1] =	stream.indirect.gather [hbm4b:s4+s14], $0x40, s18, s14, $0xb8;
	[tilespmem:$0x11000] =	vst v63  }
0x1d: {  	_ =	swait.ge [sflag:s16], $0x2000  }
0x1e: {  	[sflag:s16] =	ssyncset.done $0x0  }
0x1f: {  	s31 =	simm.s32 $0x2800;
	[sflag:s16] =	ssyncadd.s32 $0xFFFFE000  }
0x20: {  	[spmem:s2] =	stream.indirect.scatter.add.f32 [tilespmem:s15], [sflag:$0x2], $0x40, s31, s14, $0xb8;
	[tilespmem:$0x11000] =	vst v63  }
0x21: {  	_ =	swait.ge [sflag:s12], $0x2000  }
0x22: {  	s19 =	simm.s32 $0x400;
	s18 =	simm.s32 $0x200;
	[sflag:s12] =	ssyncset.done $0x0  }
.LBB2_2:
0x23: {  	s20 =	sshra.s32 s18, $0x2  }
0x24: {  	[sflag:s12] =	ssyncadd.s32 $0xFFFFE000;
	s18 =	smov.u32 s19;
	s21 =	sadd.s32 $0x200, s19  }
0x25: {  	[tilespmem:s15], [sflag:$0x1] =	stream.indirect.gather [hbm4b:s4+s14], $0x40, s20, s14, $0xb8;
	[tilespmem:$0x11000] =	vst v63  }
0x26: {  	p0 =	sne.s32 s19, $0x9E00;
	_ =	swait.ge [sflag:s16], $0x2000  }
.Ltmp0:
0x27: {  	[sflag:s16] =	ssyncset.done $0x0;
	(pc) =	sbr.rel @p0 .LBB2_2-.Ltmp0, $4  }
0x28: {  	s19 =	sadd.s32 $0x2800, s20;
	[sflag:s16] =	ssyncadd.s32 $0xFFFFE000  }
0x29: {  	[spmem:s2] =	stream.indirect.scatter.add.f32 [tilespmem:s15], [sflag:$0x2], $0x40, s19, s14, $0xb8;
	[tilespmem:$0x11000] =	vst v63  }
0x2a: {  	_ =	swait.ge [sflag:s12], $0x2000  }
0x2b: {  	s19 =	smov.u32 s21;
	[sflag:s12] =	ssyncset.done $0x0  }
0x2c: {  	s18 =	sshra.s32 s18, $0x2;
	[sflag:s12] =	ssyncadd.s32 $0xFFFFE000  }
0x2d: {  	[tilespmem:s15], [sflag:$0x1] =	stream.indirect.gather [hbm4b:s4+s14], $0x40, s18, s14, $0xb8;
	[tilespmem:$0x11000] =	vst v63  }
0x2e: {  	_ =	swait.ge [sflag:s16], $0x2000  }
0x2f: {  	[sflag:s16] =	ssyncset.done $0x0  }
0x30: {  	s18 =	sadd.s32 $0x2800, s18;
	[sflag:s16] =	ssyncadd.s32 $0xFFFFE000  }
0x31: {  	[spmem:s2] =	stream.indirect.scatter.add.f32 [tilespmem:s15], [sflag:$0x2], $0x40, s18, s14, $0xb8;
	[tilespmem:$0x11000] =	vst v63  }
0x32: {  	_ =	swait.ge [sflag:s12], $0x2000  }
0x33: {  	s17 =	sadd.s32 $0x1, s17;
	[sflag:s12] =	ssyncset.done $0x0  }
0x34: {  	p0 =	sne.s32 s17, s10;
	[sflag:s12] =	ssyncadd.s32 $0xFFFFE000  }
.Ltmp1:
0x35: {  	[bflag:$0x0] =	sbarrier.arrive $0xFFFF;
	(pc) =	sbr.rel @p0 .LBB2_1-.Ltmp1, $4  }
0x36: {  	[hbm:s9], [sflag:s6] =	dma.local [spmem:s11], $0x1400  }
0x37: {  	_ =	swait.ge [sflag:s12], $0x1400  }
0x38: {  	[sflag:s12] =	ssyncset.done $0x0  }
0x39: {  	[sflag:s12] =	ssyncadd.s32 $0xFFFFEC00  }
0x3a: {  	_ =	sfence.sel $0x180000  }
0x3b: {  	[bflag:$0x0] =	sbarrier.arrive $0xFFFF  }
0x3c: {  	p0 =	sne.s32 s0, $0x0;
	_ =	strace $0x9000004D  }
0x3d: {  	s0 =	sadd.s32 @!p0 $0x100000, s1;
	[bflag:$0x2] =	sbarrier.arrive $0xFFFF  }
0x3e: {  	[sflag:s0] =	ssyncadd.tile.s32 @!p0 $0x1;
	_ =	shalt  }
.Lfunc_end2:
_tile_overlayer_lowered:
.L_overlay_start_2:
0x3f: {  	(tag) =	ssettag $0x2  }
0x40: {  	s0 =	rddreg [dreg:$0x0];
	s2 =	stileid.u32  }
0x41: {  	s1 =	rddreg [dreg:$0x1];
	p0 =	sne.s32 s2, $0x0  }
0x42: {  	s3 =	rddreg [dreg:$0x2];
	[bflag:$0x3] =	sbarrier.arrive $0xFFFF;
	s2 =	simm.s32 @!p0 $0x1C02  }
0x43: {  	[timem:s3], [sflag:s2] =	dma.local @!p0 [hbm:s0], s1  }
0x44: {  	s0 =	simm.s32 @!p0 $0x2  }
0x45: {  	_ =	swait.ge @!p0 [sflag:s0], s1  }
0x46: {  	s1 =	ssub.s32 @!p0 $0x0, s1;
	[sflag:s0] =	ssyncset.done @!p0 $0x0  }
0x47: {  	[sflag:s0] =	ssyncadd.s32 @!p0 s1  }
0x48: {  	[bflag:$0x3] =	sbarrier.arrive $0xFFFF  }
0x49: {  	_ =	shalt  }

// kernel: kernel.19.cloned.1.call-start
scs
__scs_entry_jumppad:
0x0: {  	(pc) =	sbr.rel $0x88, $3  }
0x1: {  	(tag) =	ssettag $0x0;
	lr =	simm.s32 $0x1  }
0x2: {  	[smem:$0x3F96] =	sst lr;
	_ =	strace $0xD0000000  }
0x3: {  	_ = 	snop  }
0x4: {  	_ = 	snop  }
0x5: {  	_ = 	snop  }
0x6: {  	_ = 	snop  }
0x7: {  	_ = 	snop  }
__scs_overlays_trampoline_lowered:
0x8: {  	[smem:$0x3FA5] =	sst s0  }
0x9: {  	[smem:$0x3FA6] =	sst s1  }
0xa: {  	[smem:$0x3FA7] =	sst s2  }
0xb: {  	[smem:$0x3FA8] =	sst s3  }
0xc: {  	[smem:$0x3FA9] =	sst s4  }
0xd: {  	[smem:$0x3FAA] =	sst s5  }
0xe: {  	[smem:$0x3FAB] =	sst s6  }
0xf: {  	[smem:$0x3FAC] =	sst s7  }
0x10: {  	[smem:$0x3FAD] =	sst s8  }
0x11: {  	[smem:$0x3FAE] =	sst s9;
	s0 =	simm.s32 @!p0 $0x0  }
0x12: {  	s1 =	sld [smem:$0x3F94];
	s0 =	simm.s32 @p0 $0x1  }
0x13: {  	[smem:$0x3FAF] =	sst s0;
	s0 =	simm.s32 @!p1 $0x0  }
0x14: {  	s2 =	sld [smem:$0x3F93];
	s0 =	simm.s32 @p1 $0x1  }
0x15: {  	[smem:$0x3FB0] =	sst s0;
	s0 =	simm.s32 @!p2 $0x0  }
0x16: {  	s3 =	sld [smem:$0x3FDB];
	s0 =	simm.s32 @p2 $0x1  }
0x17: {  	s4 =	simm.s32 $0x1BF5;
	[smem:$0x3FB2] =	sst s0  }
0x18: {  	s0 =	sld [smem:$0x3F95];
	_ =	swait.ge [sflag:s4], $0x0  }
0x19: {  	s7 =	sld [smem:$0x3F96]  }
0x1a: {  	s8 =	sadd.s32 $0xFFFFE003, lr  }
0x1b: {  	s9 =	sadd.s32 $0xFFFFFEF7, lr;
	s5 =	simm.s32 $0xFFFFFFFF;
	p2 =	slt.u32 s8, $0xFFFFF086  }
0x1c: {  	p1 =	slt.u32 s9, $0xF7A;
	s5 =	simm.s32 @!p2 $0x0  }
0x1d: {  	s5 =	simm.s32 @p1 $0x1;
	p0 =	seq.s32 s7, s2  }
0x1e: {  	s7 =	smul.u32 @!p0 $0xF7A, s2;
	p2 =	seq.s32 @!p0 s5, $0x0  }
0x1f: {  	s9 =	smul.u32 $0xF7A, s1;
	s8 =	simm.s32 @!p0 $0x1BF5;
	p2 =	por !p2, p0  }
0x20: {  	[sflag:s8] =	ssyncset.s32 @!p0 $0xFFFFF086;
	s6 =	sadd.s32 @!p0 s3, s7;
	s7 =	simm.s32 @!p0 $0x108  }
0x21: {  	s3 =	sadd.s32 s3, s9;
	s6 =	sadd.s32 @!p0 $0x88, s6;
	s7 =	simm.s32 @p2 $0x1082  }
0x22: {  	[simem:s7], [sflag:s8] =	dma.local @!p0 [hbm:s6], $0xF7A  }
0x23: {  	s9 =	sor.u32 $0xD0000000, s2;
	s6 =	simm.s32 $0x108;
	_ =	swait.ge @!p0 [sflag:s8], $0x0  }
0x24: {  	s3 =	sadd.s32 $0x88, s3;
	s6 =	simm.s32 @!p1 $0x1082;
	[sflag:s4] =	ssyncset.s32 $0xFFFFF086  }
0x25: {  	[simem:s6], [sflag:s4] =	dma.local [hbm:s3], $0xF7A  }
0x26: {  	[smem:$0x3F96] =	sst s1;
	(tag) =	ssettag s2;
	_ =	strace s9  }
0x27: {  	s1 =	sld [smem:$0x3FA6]  }
0x28: {  	s2 =	sld [smem:$0x3FA7]  }
0x29: {  	s4 =	sld [smem:$0x3FA9]  }
0x2a: {  	p0 =	seq.s32 s5, $0x0;
	s5 =	sld [smem:$0x3FAA]  }
0x2b: {  	s6 =	sld [smem:$0x3FAB]  }
0x2c: {  	s7 =	sld [smem:$0x3FAC]  }
0x2d: {  	s3 =	simm.s32 $0x108;
	s8 =	sld [smem:$0x3FAD]  }
0x2e: {  	s3 =	simm.s32 @!p0 $0x1082;
	s9 =	sld [smem:$0x3FAE]  }
0x2f: {  	lr =	sadd.s32 s0, s3;
	s0 =	sld [smem:$0x3FA5]  }
0x30: {  	s3 =	sld [smem:$0x3FA8]  }
0x31: {  	[smem:$0x3FB1] =	sst s10  }
0x32: {  	s10 =	sld [smem:$0x3FAF];
	_ =	sdelay $0x3  }
0x33: {  	p0 =	seq.s32 s10, $0x1;
	s10 =	sld [smem:$0x3FB1];
	_ =	sdelay $0x3  }
0x34: {  	[smem:$0x3FB1] =	sst s10  }
0x35: {  	s10 =	sld [smem:$0x3FB0];
	_ =	sdelay $0x3  }
0x36: {  	p1 =	seq.s32 s10, $0x1;
	s10 =	sld [smem:$0x3FB1];
	_ =	sdelay $0x3  }
0x37: {  	[smem:$0x3FB1] =	sst s10  }
0x38: {  	s10 =	sld [smem:$0x3FB2]  }
0x39: {  	_ = 	snop;
	(pc) =	sbr.ind lr, $3  }
0x3a: {  	_ = 	snop  }
0x3b: {  	_ = 	snop  }
0x3c: {  	p2 =	seq.s32 s10, $0x1;
	s10 =	sld [smem:$0x3FB1]  }
0x3d: {  	_ =	shalt  }
0x3e: {  	_ =	shalt  }
0x3f: {  	_ =	shalt  }
0x40: {  	_ =	shalt  }
0x41: {  	_ =	shalt  }
0x42: {  	_ =	shalt  }
0x43: {  	_ =	shalt  }
0x44: {  	_ =	shalt  }
0x45: {  	_ =	shalt  }
0x46: {  	_ =	shalt  }
0x47: {  	_ =	shalt  }
0x48: {  	_ =	shalt  }
0x49: {  	_ =	shalt  }
0x4a: {  	_ =	shalt  }
0x4b: {  	_ =	shalt  }
0x4c: {  	_ =	shalt  }
0x4d: {  	_ =	shalt  }
0x4e: {  	_ =	shalt  }
0x4f: {  	_ =	shalt  }
0x50: {  	_ =	shalt  }
0x51: {  	_ =	shalt  }
0x52: {  	_ =	shalt  }
0x53: {  	_ =	shalt  }
0x54: {  	_ =	shalt  }
0x55: {  	_ =	shalt  }
0x56: {  	_ =	shalt  }
0x57: {  	_ =	shalt  }
0x58: {  	_ =	shalt  }
0x59: {  	_ =	shalt  }
0x5a: {  	_ =	shalt  }
0x5b: {  	_ =	shalt  }
0x5c: {  	_ =	shalt  }
0x5d: {  	_ =	shalt  }
0x5e: {  	_ =	shalt  }
0x5f: {  	_ =	shalt  }
0x60: {  	_ =	shalt  }
0x61: {  	_ =	shalt  }
0x62: {  	_ =	shalt  }
0x63: {  	_ =	shalt  }
0x64: {  	_ =	shalt  }
0x65: {  	_ =	shalt  }
0x66: {  	_ =	shalt  }
0x67: {  	_ =	shalt  }
0x68: {  	_ =	shalt  }
0x69: {  	_ =	shalt  }
0x6a: {  	_ =	shalt  }
0x6b: {  	_ =	shalt  }
0x6c: {  	_ =	shalt  }
0x6d: {  	_ =	shalt  }
0x6e: {  	_ =	shalt  }
0x6f: {  	_ =	shalt  }
0x70: {  	_ =	shalt  }
0x71: {  	_ =	shalt  }
0x72: {  	_ =	shalt  }
0x73: {  	_ =	shalt  }
0x74: {  	_ =	shalt  }
0x75: {  	_ =	shalt  }
0x76: {  	_ =	shalt  }
0x77: {  	_ =	shalt  }
0x78: {  	_ =	shalt  }
0x79: {  	_ =	shalt  }
0x7a: {  	_ =	shalt  }
0x7b: {  	_ =	shalt  }
0x7c: {  	_ =	shalt  }
0x7d: {  	_ =	shalt  }
0x7e: {  	_ =	shalt  }
0x7f: {  	_ =	shalt  }
0x80: {  	_ =	shalt  }
0x81: {  	_ =	shalt  }
0x82: {  	_ =	shalt  }
0x83: {  	_ =	shalt  }
0x84: {  	_ =	shalt  }
0x85: {  	_ =	shalt  }
0x86: {  	_ =	shalt  }
0x87: {  	_ =	shalt  }
.Lfunc_end0:
.L_simem_size_0:
called_computation.3_lowered:
.L_overlay_start_0:
0x88: {  	s2 =	sld [smem:$0x3FD9]  }
0x89: {  	s3 =	sld [smem:$0x3FFE];
	_ =	sdelay $0x1  }
0x8a: {  	s1 =	srdreg.scid  }
0x8b: {  	s0 =	sand.u32 $0x1, s1  }
0x8c: {  	s16 =	sshll.u32 s0, $0xA;
	s2 =	sadd.s32 s3, s2  }
0x8d: {  	s2 =	sadd.s32 s2, s16  }
0x8e: {  	[smem:$0x3FBD] =	sst s2  }
0x8f: {  	_ = 	snop  }
0x90: {  	(tm) =	ssettm $0x1  }
0x91: {  	s17 =	sld [smem:$0x3FFB];
	_ =	sdelay $0x3  }
0x92: {  	_ =	strace s17  }
0x93: {  	s2 =	sld [smem:$0x3FFC];
	_ =	sdelay $0x3  }
0x94: {  	_ =	strace s2  }
0x95: {  	s2 =	sld [smem:$0x3FFD];
	_ =	sdelay $0x3  }
0x96: {  	_ =	strace s2  }
0x97: {  	_ =	strace $0x8FFFFFFF  }
0x98: {  	s18 =	sld [smem:$0x3FDB];
	_ =	sdelay $0x1  }
0x99: {  	s19 =	simm.s32 $_scs_section_size  }
0x9a: {  	s4 =	simm.s32 $_size__tile_overlayer_lowered;
	s5 =	simm.s32 $_tile_overlayer_lowered  }
0x9b: {  	s22 =	simm.s32 $0x1BFF;
	s21 =	sshll.u32 s5, $0x1;
	s2 =	sadd.s32 s19, s18  }
0x9c: {  	s6 =	simm.s32 $0x0;
	s20 =	sshll.u32 s4, $0x1;
	s4 =	sadd.s32 s21, s2  }
0x9d: {  	[timem:s6], [sflag:s22] =	dma.local [hbm:s4], s20  }
0x9e: {  	_ =	swait.ge [sflag:s22], s20  }
0x9f: {  	s3 =	ssub.s32 $0x0, s20;
	[sflag:s22] =	ssyncset.done $0x0  }
0xa0: {  	[sflag:s22] =	ssyncadd.s32 s3;
	_ =	sdelay $0x1  }
0xa1: {  	s23 =	simm.s32 $0x1B8B  }
0xa2: {  	_ =	swait.ge [sflag:s23], $0x1  }
0xa3: {  	[sflag:s23] =	ssyncset.done $0x0  }
0xa4: {  	s25 =	simm.s32 $0x1B8E;
	s24 =	sld [smem:$0x3FFE];
	[sflag:s23] =	ssyncadd.s32 $0xFFFFFFFF  }
0xa5: {  	s26 =	simm.s32 $execute0_lowered;
	[smem:$0x3FD2] =	sst s25  }
0xa6: {  	s4 =	sshll.u32 s26, $0x1;
	_ =	strace $0x8000004F;
	[dreg:$0x1] =	wrdreg $0xFFFFFFFF  }
0xa7: {  	s28 =	simm.s32 $_size_execute0_lowered;
	s2 =	sadd.s32 s2, s4;
	[dreg:$0x0] =	wrdreg $0x0  }
0xa8: {  	s4 =	sshll.u32 s28, $0x1;
	[dreg:$0x2] =	wrdreg s2  }
0xa9: {  	[dreg:$0x3] =	wrdreg s4  }
0xaa: {  	[dreg:$0x4] =	wrdreg $0xC0  }
0xab: {  	_ =	task [dreg:s6], $0x5FFFF  }
0xac: {  	[dreg:$0x1] =	wrdreg $0xFFFFFFFF  }
0xad: {  	[dreg:$0x0] =	wrdreg $0x60  }
0xae: {  	[dreg:$0x2] =	wrdreg s24  }
0xaf: {  	[dreg:$0x3] =	wrdreg $0x70000  }
0xb0: {  	[dreg:$0x4] =	wrdreg $0x9  }
0xb1: {  	_ =	task.clear_ibuf [dreg:s6], $0x5FFFF;
	_ =	strace $0x9000004F  }
0xb2: {  	s29 =	simm.s32 $0x9;
	_ =	strace $0x80000051  }
0xb3: {  	_ =	swait.ge [sflag:s29], $0x1  }
0xb4: {  	[sflag:s29] =	ssyncadd.s32 $0xFFFFFFFF  }
0xb5: {  	_ =	strace $0x90000051  }
0xb6: {  	_ =	sfence  }
0xb7: {  	s30 =	sld [smem:$0x0];
	_ =	sdelay $0x2  }
0xb8: {  	s31 =	sshll.u32 s1, $0xD;
	s1 =	sshrl.u32 s1, $0x2  }
0xb9: {  	s3 =	sand.u32 $0x4000, s31;
	s1 =	sadd.s32 s1, s30  }
0xba: {  	s0 =	sor.u32 s3, s0;
	s1 =	sshll.u32 s1, $0x11  }
0xbb: {  	s0 =	sor.u32 s1, s0  }
0xbc: {  	s0 =	sadd.s32 $0x8F2B, s0  }
0xbd: {  	[sflag:s0] =	ssyncadd.remote.s32 $0x1  }
0xbe: {  	_ =	sfence.sel $0xFFFF  }
0xbf: {  	[dreg:$0x0] =	wrdreg $0xFFFFFFFF;
	(pc) =	sbr.abs _section_cstart, $3  }
0xc0: {  	[dreg:$0x1] =	wrdreg $0xFFFFFFFF  }
0xc1: {  	_ =	task.clear_ibuf [dreg:s6], $0x2FFFF;
	_ =	strace $0x9FFFFFFF  }
0xc2: {  	(tm) =	ssettm $0x7FFFFFFF  }
0xc3: {  	_ =	shalt  }
tec
execute0_lowered:
.L_overlay_start_1:
0x0: {  	(tag) =	ssettag $0x1  }
0x1: {  	s1 =	srdreg.scid  }
0x2: {  	s0 =	stileid.u32;
	s6 =	rddreg [dreg:$0x0]  }
0x3: {  	s2 =	rddreg [dreg:$0x1];
	s3 =	simm.s32 $0x0;
	s14 =	simm.s32 $0x80  }
0x4: {  	s15 =	simm.s32 $0x5000;
	s16 =	simm.s32 $0x1;
	s17 =	simm.s32 $0x0  }
0x5: {  	s5 =	sand.u32 $0x1, s1;
	s28 =	sshll.u32 s0, $0x1;
	s8 =	smul.u32 $0xA000, s0  }
0x6: {  	[smem:$0x7FF] =	sst s3;
	s4 =	sadd.s32 $0x75800, s6;
	s31 =	sshll.u32 s0, $0x6  }
0x7: {  	s1 =	sor.u32 s5, s28;
	s9 =	smul.u32 $0xA0000, s5;
	s5 =	ssub.s32 $0x2, s5  }
0x8: {  	s7 =	smul.u32 $0x500, s1;
	s1 =	rddreg [dreg:$0x2];
	_ =	strace $0x80000050  }
0x9: {  	s30 =	sshrl.u32 s8, $0x3;
	s11 =	sshrl.u32 s5, $0x1;
	s13 =	sadd.s32 s8, s2  }
0xa: {  	s29 =	sadd.s32 s8, s9;
	s9 =	sadd.s32 s30, s6;
	s11 =	ssub.s32 s5, s11  }
0xb: {  	s10 =	sadd.s32 s7, s6;
	s7 =	sshrl.u32 s29, $0x3;
	s5 =	sadd.s32 $0x89800, s9  }
0xc: {  	s12 =	sadd.s32 s7, s6;
	s6 =	sor.u32 $0x1C02, s31;
	s7 =	sadd.s32 $0x1B800, s10  }
0xd: {  	s8 =	sadd.s32 $0x2600, s10;
	s10 =	smax.u32 s11, $0x1;
	s11 =	sshrl.u32 s13, $0x3  }
0xe: {  	s13 =	simm.s32 $0x2800;
	s9 =	sadd.s32 $0x9D800, s12;
	s12 =	simm.s32 $0x2  }
.LBB2_1:
0xf: {  	[spmem:s11], [sflag:s6] =	dma.local [hbm:s5], $0x1400  }
0x10: {  	_ =	swait.ge [sflag:s12], $0x1400  }
0x11: {  	[sflag:s12] =	ssyncset.done $0x0  }
0x12: {  	[sflag:s12] =	ssyncadd.s32 $0xFFFFEC00  }
0x13: {  	[tilespmem:s3], [sflag:$0x2] =	stream.linear.gather [hbm4b:s7+s3], $0x2800, $0x38;
	[tilespmem:$0x11000] =	vst v63  }
0x14: {  	_ =	swait.ge [sflag:s12], $0x2800  }
0x15: {  	[sflag:s12] =	ssyncset.done $0x0  }
0x16: {  	[sflag:s12] =	ssyncadd.s32 $0xFFFFD800  }
0x17: {  	[tilespmem:s13], [sflag:$0x2] =	stream.linear.gather [hbm4b:s8+s3], $0x2800, $0x38;
	[tilespmem:$0x11000] =	vst v63  }
0x18: {  	_ =	swait.ge [sflag:s12], $0x2800  }
0x19: {  	[sflag:s12] =	ssyncset.done $0x0  }
0x1a: {  	[sflag:s12] =	ssyncadd.s32 $0xFFFFD800  }
0x1b: {  	s18 =	simm.s32 $0x0;
	[bflag:$0x0] =	sbarrier.arrive $0xFFFF  }
0x1c: {  	[tilespmem:s15], [sflag:$0x1] =	stream.indirect.gather [hbm4b:s4+s14], $0x40, s18, s14, $0xb8;
	[tilespmem:$0x11000] =	vst v63  }
0x1d: {  	_ =	swait.ge [sflag:s16], $0x2000  }
0x1e: {  	[sflag:s16] =	ssyncset.done $0x0  }
0x1f: {  	s31 =	simm.s32 $0x2800;
	[sflag:s16] =	ssyncadd.s32 $0xFFFFE000  }
0x20: {  	[spmem:s2] =	stream.indirect.scatter.add.f32 [tilespmem:s15], [sflag:$0x2], $0x40, s31, s14, $0xb8;
	[tilespmem:$0x11000] =	vst v63  }
0x21: {  	_ =	swait.ge [sflag:s12], $0x2000  }
0x22: {  	s19 =	simm.s32 $0x400;
	s18 =	simm.s32 $0x200;
	[sflag:s12] =	ssyncset.done $0x0  }
.LBB2_2:
0x23: {  	s20 =	sshra.s32 s18, $0x2  }
0x24: {  	[sflag:s12] =	ssyncadd.s32 $0xFFFFE000;
	s18 =	smov.u32 s19;
	s21 =	sadd.s32 $0x200, s19  }
0x25: {  	[tilespmem:s15], [sflag:$0x1] =	stream.indirect.gather [hbm4b:s4+s14], $0x40, s20, s14, $0xb8;
	[tilespmem:$0x11000] =	vst v63  }
0x26: {  	p0 =	sne.s32 s19, $0x9E00;
	_ =	swait.ge [sflag:s16], $0x2000  }
.Ltmp0:
0x27: {  	[sflag:s16] =	ssyncset.done $0x0;
	(pc) =	sbr.rel @p0 .LBB2_2-.Ltmp0, $4  }
0x28: {  	s19 =	sadd.s32 $0x2800, s20;
	[sflag:s16] =	ssyncadd.s32 $0xFFFFE000  }
0x29: {  	[spmem:s2] =	stream.indirect.scatter.add.f32 [tilespmem:s15], [sflag:$0x2], $0x40, s19, s14, $0xb8;
	[tilespmem:$0x11000] =	vst v63  }
0x2a: {  	_ =	swait.ge [sflag:s12], $0x2000  }
0x2b: {  	s19 =	smov.u32 s21;
	[sflag:s12] =	ssyncset.done $0x0  }
0x2c: {  	s18 =	sshra.s32 s18, $0x2;
	[sflag:s12] =	ssyncadd.s32 $0xFFFFE000  }
0x2d: {  	[tilespmem:s15], [sflag:$0x1] =	stream.indirect.gather [hbm4b:s4+s14], $0x40, s18, s14, $0xb8;
	[tilespmem:$0x11000] =	vst v63  }
0x2e: {  	_ =	swait.ge [sflag:s16], $0x2000  }
0x2f: {  	[sflag:s16] =	ssyncset.done $0x0  }
0x30: {  	s18 =	sadd.s32 $0x2800, s18;
	[sflag:s16] =	ssyncadd.s32 $0xFFFFE000  }
0x31: {  	[spmem:s2] =	stream.indirect.scatter.add.f32 [tilespmem:s15], [sflag:$0x2], $0x40, s18, s14, $0xb8;
	[tilespmem:$0x11000] =	vst v63  }
0x32: {  	_ =	swait.ge [sflag:s12], $0x2000  }
0x33: {  	s17 =	sadd.s32 $0x1, s17;
	[sflag:s12] =	ssyncset.done $0x0  }
0x34: {  	p0 =	sne.s32 s17, s10;
	[sflag:s12] =	ssyncadd.s32 $0xFFFFE000  }
.Ltmp1:
0x35: {  	[bflag:$0x0] =	sbarrier.arrive $0xFFFF;
	(pc) =	sbr.rel @p0 .LBB2_1-.Ltmp1, $4  }
0x36: {  	[hbm:s9], [sflag:s6] =	dma.local [spmem:s11], $0x1400  }
0x37: {  	_ =	swait.ge [sflag:s12], $0x1400  }
0x38: {  	[sflag:s12] =	ssyncset.done $0x0  }
0x39: {  	[sflag:s12] =	ssyncadd.s32 $0xFFFFEC00  }
0x3a: {  	_ =	sfence.sel $0x180000  }
0x3b: {  	[bflag:$0x0] =	sbarrier.arrive $0xFFFF  }
0x3c: {  	p0 =	sne.s32 s0, $0x0;
	_ =	strace $0x90000050  }
0x3d: {  	s0 =	sadd.s32 @!p0 $0x100000, s1;
	[bflag:$0x2] =	sbarrier.arrive $0xFFFF  }
0x3e: {  	[sflag:s0] =	ssyncadd.tile.s32 @!p0 $0x1;
	_ =	shalt  }
.Lfunc_end2:
_tile_overlayer_lowered:
.L_overlay_start_2:
0x3f: {  	(tag) =	ssettag $0x2  }
0x40: {  	s0 =	rddreg [dreg:$0x0];
	s2 =	stileid.u32  }
0x41: {  	s1 =	rddreg [dreg:$0x1];
	p0 =	sne.s32 s2, $0x0  }
0x42: {  	s3 =	rddreg [dreg:$0x2];
	[bflag:$0x3] =	sbarrier.arrive $0xFFFF;
	s2 =	simm.s32 @!p0 $0x1C02  }
0x43: {  	[timem:s3], [sflag:s2] =	dma.local @!p0 [hbm:s0], s1  }
0x44: {  	s0 =	simm.s32 @!p0 $0x2  }
0x45: {  	_ =	swait.ge @!p0 [sflag:s0], s1  }
0x46: {  	s1 =	ssub.s32 @!p0 $0x0, s1;
	[sflag:s0] =	ssyncset.done @!p0 $0x0  }
0x47: {  	[sflag:s0] =	ssyncadd.s32 @!p0 s1  }
0x48: {  	[bflag:$0x3] =	sbarrier.arrive $0xFFFF  }
0x49: {  	_ =	shalt  }

</sc_bundles>
